<compile_context>
chip_gen: v7x
topology: tpu7x:2x2x1
jax: 0.10.2.dev20260603
libtpu: 0.0.44.dev20260713+nightly
codegen_flags: <defaults>
</compile_context>

<pallas_src>
import functools

import jax
import jax.numpy as jnp
from jax import lax
from jax.experimental import pallas as pl
from jax.experimental.pallas import tpu as pltpu
from jax.experimental.pallas import tpu_sc as plsc

VOCAB = 1_000_000
EMBED_DIM = 64
BATCH = 4096
HIST = 200

_NUM_WORKERS = 32
_B_PER_W = BATCH // _NUM_WORKERS
_SPLIT = 128
_REST = HIST - _SPLIT
_NBUF = 8
_DG = 5


def _make_sc_gather():
    mesh = plsc.VectorSubcoreMesh(core_axis_name="c", subcore_axis_name="s")

    @functools.partial(
        pl.kernel,
        mesh=mesh,
        out_type=jax.ShapeDtypeStruct((BATCH, HIST, EMBED_DIM), jnp.float32),
        scratch_types=[
            pltpu.VMEM((_B_PER_W, HIST), jnp.int32),
            pltpu.VMEM((_NBUF, HIST, EMBED_DIM), jnp.float32),
            pltpu.SemaphoreType.DMA,
            pltpu.SemaphoreType.DMA,
        ],
        compiler_params=pltpu.CompilerParams(use_tc_tiling_on_sc=False),
    )
    def gather_kernel(idx_hbm, table_hbm, out_hbm, idx_v, rows_v, gsem, osem):
        nc = lax.axis_size("c")
        wid = lax.axis_index("s") * nc + lax.axis_index("c")
        w_b0 = pl.multiple_of(wid * _B_PER_W, _B_PER_W)

        pltpu.sync_copy(idx_hbm.at[pl.ds(w_b0, _B_PER_W), :], idx_v)

        def buf_of(c):
            return lax.rem(c, _NBUF) if not isinstance(c, int) else c % _NBUF

        def gather_copies(c):
            buf = buf_of(c)
            return (
                pltpu.make_async_copy(
                    table_hbm.at[idx_v.at[c, pl.ds(0, _SPLIT)]],
                    rows_v.at[buf, pl.ds(0, _SPLIT), :],
                    gsem,
                ),
                pltpu.make_async_copy(
                    table_hbm.at[idx_v.at[c, pl.ds(_SPLIT, _REST)]],
                    rows_v.at[buf, pl.ds(_SPLIT, _REST), :],
                    gsem,
                ),
            )

        def out_copy(c):
            return pltpu.make_async_copy(
                rows_v.at[buf_of(c)], out_hbm.at[w_b0 + c], osem
            )

        def fire_gathers(c):
            for cp in gather_copies(c):
                cp.start()

        def wait_gathers(c):
            for cp in gather_copies(c):
                cp.wait()

        for t in range(_DG):
            fire_gathers(t)
        for t in range(_DG, _NBUF):
            wait_gathers(t - _DG)
            out_copy(t - _DG).start()
            fire_gathers(t)

        def body(t, carry):
            wait_gathers(t - _DG)
            out_copy(t - _DG).start()
            out_copy(t - _NBUF).wait()
            fire_gathers(t)
            return carry

        lax.fori_loop(_NBUF, _B_PER_W, body, 0)

        for t in range(_B_PER_W, _B_PER_W + _DG):
            wait_gathers(t - _DG)
            out_copy(t - _DG).start()
        for c in range(_B_PER_W - _NBUF, _B_PER_W):
            out_copy(c).wait()

    return gather_kernel


@functools.cache
def _sc_gather():
    return _make_sc_gather()


def kernel(words, weight):
    return _sc_gather()(words.astype(jnp.int32), weight)

# --- scband reference (transcript-rebuilt; emitter-appended) ---
"""Pipeline reference for scband-embedding-dropout-82420422410857 (READ-ONLY COPY).

The authoritative reference and input builder live on the scoring server;
editing this copy changes nothing except your own understanding.
"""

import jax, jax.numpy as jnp
import numpy as np

VOCAB = 1000000
EMBED_DIM = 64
BATCH = 4096
HIST = 200

def setup_inputs(seed: int = 0) -> dict:
    key = jax.random.key(seed)
    k_words, k_w = jax.random.split(key)
    words = jax.random.randint(k_words, (BATCH, HIST), 0, VOCAB, dtype=jnp.int64 if jax.config.jax_enable_x64 else jnp.int32)
    weight = jax.random.normal(k_w, (VOCAB, EMBED_DIM), dtype=jnp.float32) * 0.02
    return {"words": words, "weight": weight}

def reference(words, weight):
    # EmbeddingDropout in eval mode (training=False): plain embedding lookup,
    # no row-dropout mask, scale is None, padding_idx=-1 (no-op).
    return jnp.take(weight, words, axis=0)

if __name__ == "__main__":
    import jax
    _d = setup_inputs()
    print(jax.jit(kernel)(*tuple(_d.values())))

</pallas_src>

<mosaic_0001>
#map = affine_map<(d0, d1) -> (0, 0)>
#map1 = affine_map<(d0, d1) -> (0, 0, 0)>
module attributes {stable_mosaic.version = 14 : i64} {
  func.func @gather_kernel(%arg0: i32, %arg1: i32, %arg2: memref<4096x200xi32, #tpu.memory_space<hbm>>, %arg3: memref<1000000x64xf32, #tpu.memory_space<hbm>>, %arg4: memref<4096x200x64xf32, #tpu.memory_space<hbm>>, %arg5: memref<128x200xi32, #tpu.memory_space<vmem>>, %arg6: memref<8x200x64xf32, #tpu.memory_space<vmem>>, %arg7: memref<!tpu.dma_semaphore, #tpu.memory_space<semaphore_mem>>, %arg8: memref<!tpu.dma_semaphore, #tpu.memory_space<semaphore_mem>>) attributes {dimension_semantics = [#tpu.dimension_semantics<core_parallel>, #tpu.dimension_semantics<subcore_parallel>], iteration_bounds = array<i64: 2, 16>, scalar_prefetch = 0 : i64, scratch_operands = 4 : i64, tpu.core_type = #tpu.core_type<sc_vector_subcore>, window_params = [{transform_indices = #map}, {transform_indices = #map}, {transform_indices = #map1}]} {
    %mul3A = arith.constant 2 : i32
    %mul3A_0 = arith.muli %arg1, %mul3A : i32
    %add3A = arith.addi %mul3A_0, %arg0 : i32
    %mul3A_1 = arith.constant 128 : i32
    %mul3A_2 = arith.muli %add3A, %mul3A_1 : i32
    %multiple_of3A = tpu.assume_multiple %mul3A_2, 128 : i32
    "tpu.region"() ({
      %run_scoped3A = tpu.sem_alloc : memref<!tpu.dma_semaphore, #tpu.memory_space<semaphore_mem>>
      %dma_start3A_694 = arith.constant 0 : i32
      %dma_start3A_695 = tpu.memref_slice %arg2[%multiple_of3A, %dma_start3A_694] : memref<4096x200xi32, #tpu.memory_space<hbm>> -> memref<128x200xi32, #tpu.memory_space<hbm>>
      %dma_start3A_696 = arith.constant 0 : i32
      %dma_start3A_697 = tpu.memref_slice %arg2[%multiple_of3A, %dma_start3A_696] : memref<4096x200xi32, #tpu.memory_space<hbm>> -> memref<128x200xi32, #tpu.memory_space<hbm>>
      tpu.enqueue_dma source(%dma_start3A_697 : memref<128x200xi32, #tpu.memory_space<hbm>>) target(%arg5 : memref<128x200xi32, #tpu.memory_space<vmem>>) target_semaphore(%run_scoped3A : memref<!tpu.dma_semaphore, #tpu.memory_space<semaphore_mem>>)
      %dma_wait3A_698 = arith.constant 0 : i32
      %dma_wait3A_699 = tpu.memref_slice %arg2[%multiple_of3A, %dma_wait3A_698] : memref<4096x200xi32, #tpu.memory_space<hbm>> -> memref<128x200xi32, #tpu.memory_space<hbm>>
      %dma_wait3A_700 = arith.constant 0 : i32
      %dma_wait3A_701 = tpu.memref_slice %arg2[%multiple_of3A, %dma_wait3A_700] : memref<4096x200xi32, #tpu.memory_space<hbm>> -> memref<128x200xi32, #tpu.memory_space<hbm>>
      tpu.wait_dma2 semaphore(%run_scoped3A : memref<!tpu.dma_semaphore, #tpu.memory_space<semaphore_mem>>) src(%dma_wait3A_701 : memref<128x200xi32, #tpu.memory_space<hbm>>) dst(%arg5 : memref<128x200xi32, #tpu.memory_space<vmem>>)
      tpu.yield
    }) : () -> ()
    %dma_start3A = arith.constant 0 : i32
    %dma_start3A_3 = arith.constant 0 : i32
    %dma_start3A_4 = arith.constant 0 : i32
    %dma_start3A_5 = arith.constant 0 : i32
    %dma_start3A_6 = tpu.memref_slice %arg6[%dma_start3A_3, %dma_start3A_4, %dma_start3A_5] : memref<8x200x64xf32, #tpu.memory_space<vmem>> -> memref<1x128x64xf32, #tpu.memory_space<vmem>>
    %dma_start3A_7 = tpu.memref_squeeze %dma_start3A_6 : memref<1x128x64xf32, #tpu.memory_space<vmem>> -> memref<128x64xf32, #tpu.memory_space<vmem>>
    %dma_start3A_8 = arith.constant 0 : i32
    %dma_start3A_9 = tpu.memref_slice %arg5[%dma_start3A, %dma_start3A_8] : memref<128x200xi32, #tpu.memory_space<vmem>> -> memref<1x128xi32, #tpu.memory_space<vmem>>
    %dma_start3A_10 = tpu.memref_squeeze %dma_start3A_9 : memref<1x128xi32, #tpu.memory_space<vmem>> -> memref<128xi32, #tpu.memory_space<vmem>>
    %dma_start3A_11 = arith.constant 0 : i32
    %dma_start3A_12 = arith.constant 0 : i32
    %dma_start3A_13 = tpu.memref_slice %arg3[%dma_start3A_11, %dma_start3A_12] : memref<1000000x64xf32, #tpu.memory_space<hbm>> -> memref<1000000x64xf32, #tpu.memory_space<hbm>>
    tpu.enqueue_indirect_dma source(%dma_start3A_13 : memref<1000000x64xf32, #tpu.memory_space<hbm>>) target(%dma_start3A_7 : memref<128x64xf32, #tpu.memory_space<vmem>>) offsets(%dma_start3A_10 : memref<128xi32, #tpu.memory_space<vmem>>) semaphore(%arg7 : memref<!tpu.dma_semaphore, #tpu.memory_space<semaphore_mem>>)
    %dma_start3A_14 = arith.constant 0 : i32
    %dma_start3A_15 = arith.constant 0 : i32
    %dma_start3A_16 = arith.constant 128 : i32
    %dma_start3A_17 = arith.constant 0 : i32
    %dma_start3A_18 = tpu.memref_slice %arg6[%dma_start3A_15, %dma_start3A_16, %dma_start3A_17] : memref<8x200x64xf32, #tpu.memory_space<vmem>> -> memref<1x72x64xf32, #tpu.memory_space<vmem>>
    %dma_start3A_19 = tpu.memref_squeeze %dma_start3A_18 : memref<1x72x64xf32, #tpu.memory_space<vmem>> -> memref<72x64xf32, #tpu.memory_space<vmem>>
    %dma_start3A_20 = arith.constant 128 : i32
    %dma_start3A_21 = tpu.memref_slice %arg5[%dma_start3A_14, %dma_start3A_20] : memref<128x200xi32, #tpu.memory_space<vmem>> -> memref<1x72xi32, #tpu.memory_space<vmem>>
    %dma_start3A_22 = tpu.memref_squeeze %dma_start3A_21 : memref<1x72xi32, #tpu.memory_space<vmem>> -> memref<72xi32, #tpu.memory_space<vmem>>
    %dma_start3A_23 = arith.constant 0 : i32
    %dma_start3A_24 = arith.constant 0 : i32
    %dma_start3A_25 = tpu.memref_slice %arg3[%dma_start3A_23, %dma_start3A_24] : memref<1000000x64xf32, #tpu.memory_space<hbm>> -> memref<1000000x64xf32, #tpu.memory_space<hbm>>
    tpu.enqueue_indirect_dma source(%dma_start3A_25 : memref<1000000x64xf32, #tpu.memory_space<hbm>>) target(%dma_start3A_19 : memref<72x64xf32, #tpu.memory_space<vmem>>) offsets(%dma_start3A_22 : memref<72xi32, #tpu.memory_space<vmem>>) semaphore(%arg7 : memref<!tpu.dma_semaphore, #tpu.memory_space<semaphore_mem>>)
    %dma_start3A_26 = arith.constant 1 : i32
    %dma_start3A_27 = arith.constant 1 : i32
    %dma_start3A_28 = arith.constant 0 : i32
    %dma_start3A_29 = arith.constant 0 : i32
    %dma_start3A_30 = tpu.memref_slice %arg6[%dma_start3A_27, %dma_start3A_28, %dma_start3A_29] : memref<8x200x64xf32, #tpu.memory_space<vmem>> -> memref<1x128x64xf32, #tpu.memory_space<vmem>>
    %dma_start3A_31 = tpu.memref_squeeze %dma_start3A_30 : memref<1x128x64xf32, #tpu.memory_space<vmem>> -> memref<128x64xf32, #tpu.memory_space<vmem>>
    %dma_start3A_32 = arith.constant 0 : i32
    %dma_start3A_33 = tpu.memref_slice %arg5[%dma_start3A_26, %dma_start3A_32] : memref<128x200xi32, #tpu.memory_space<vmem>> -> memref<1x128xi32, #tpu.memory_space<vmem>>
    %dma_start3A_34 = tpu.memref_squeeze %dma_start3A_33 : memref<1x128xi32, #tpu.memory_space<vmem>> -> memref<128xi32, #tpu.memory_space<vmem>>
    %dma_start3A_35 = arith.constant 0 : i32
    %dma_start3A_36 = arith.constant 0 : i32
    %dma_start3A_37 = tpu.memref_slice %arg3[%dma_start3A_35, %dma_start3A_36] : memref<1000000x64xf32, #tpu.memory_space<hbm>> -> memref<1000000x64xf32, #tpu.memory_space<hbm>>
    tpu.enqueue_indirect_dma source(%dma_start3A_37 : memref<1000000x64xf32, #tpu.memory_space<hbm>>) target(%dma_start3A_31 : memref<128x64xf32, #tpu.memory_space<vmem>>) offsets(%dma_start3A_34 : memref<128xi32, #tpu.memory_space<vmem>>) semaphore(%arg7 : memref<!tpu.dma_semaphore, #tpu.memory_space<semaphore_mem>>)
    %dma_start3A_38 = arith.constant 1 : i32
    %dma_start3A_39 = arith.constant 1 : i32
    %dma_start3A_40 = arith.constant 128 : i32
    %dma_start3A_41 = arith.constant 0 : i32
    %dma_start3A_42 = tpu.memref_slice %arg6[%dma_start3A_39, %dma_start3A_40, %dma_start3A_41] : memref<8x200x64xf32, #tpu.memory_space<vmem>> -> memref<1x72x64xf32, #tpu.memory_space<vmem>>
    %dma_start3A_43 = tpu.memref_squeeze %dma_start3A_42 : memref<1x72x64xf32, #tpu.memory_space<vmem>> -> memref<72x64xf32, #tpu.memory_space<vmem>>
    %dma_start3A_44 = arith.constant 128 : i32
    %dma_start3A_45 = tpu.memref_slice %arg5[%dma_start3A_38, %dma_start3A_44] : memref<128x200xi32, #tpu.memory_space<vmem>> -> memref<1x72xi32, #tpu.memory_space<vmem>>
    %dma_start3A_46 = tpu.memref_squeeze %dma_start3A_45 : memref<1x72xi32, #tpu.memory_space<vmem>> -> memref<72xi32, #tpu.memory_space<vmem>>
    %dma_start3A_47 = arith.constant 0 : i32
    %dma_start3A_48 = arith.constant 0 : i32
    %dma_start3A_49 = tpu.memref_slice %arg3[%dma_start3A_47, %dma_start3A_48] : memref<1000000x64xf32, #tpu.memory_space<hbm>> -> memref<1000000x64xf32, #tpu.memory_space<hbm>>
    tpu.enqueue_indirect_dma source(%dma_start3A_49 : memref<1000000x64xf32, #tpu.memory_space<hbm>>) target(%dma_start3A_43 : memref<72x64xf32, #tpu.memory_space<vmem>>) offsets(%dma_start3A_46 : memref<72xi32, #tpu.memory_space<vmem>>) semaphore(%arg7 : memref<!tpu.dma_semaphore, #tpu.memory_space<semaphore_mem>>)
    %dma_start3A_50 = arith.constant 2 : i32
    %dma_start3A_51 = arith.constant 2 : i32
    %dma_start3A_52 = arith.constant 0 : i32
    %dma_start3A_53 = arith.constant 0 : i32
    %dma_start3A_54 = tpu.memref_slice %arg6[%dma_start3A_51, %dma_start3A_52, %dma_start3A_53] : memref<8x200x64xf32, #tpu.memory_space<vmem>> -> memref<1x128x64xf32, #tpu.memory_space<vmem>>
    %dma_start3A_55 = tpu.memref_squeeze %dma_start3A_54 : memref<1x128x64xf32, #tpu.memory_space<vmem>> -> memref<128x64xf32, #tpu.memory_space<vmem>>
    %dma_start3A_56 = arith.constant 0 : i32
    %dma_start3A_57 = tpu.memref_slice %arg5[%dma_start3A_50, %dma_start3A_56] : memref<128x200xi32, #tpu.memory_space<vmem>> -> memref<1x128xi32, #tpu.memory_space<vmem>>
    %dma_start3A_58 = tpu.memref_squeeze %dma_start3A_57 : memref<1x128xi32, #tpu.memory_space<vmem>> -> memref<128xi32, #tpu.memory_space<vmem>>
    %dma_start3A_59 = arith.constant 0 : i32
    %dma_start3A_60 = arith.constant 0 : i32
    %dma_start3A_61 = tpu.memref_slice %arg3[%dma_start3A_59, %dma_start3A_60] : memref<1000000x64xf32, #tpu.memory_space<hbm>> -> memref<1000000x64xf32, #tpu.memory_space<hbm>>
    tpu.enqueue_indirect_dma source(%dma_start3A_61 : memref<1000000x64xf32, #tpu.memory_space<hbm>>) target(%dma_start3A_55 : memref<128x64xf32, #tpu.memory_space<vmem>>) offsets(%dma_start3A_58 : memref<128xi32, #tpu.memory_space<vmem>>) semaphore(%arg7 : memref<!tpu.dma_semaphore, #tpu.memory_space<semaphore_mem>>)
    %dma_start3A_62 = arith.constant 2 : i32
    %dma_start3A_63 = arith.constant 2 : i32
    %dma_start3A_64 = arith.constant 128 : i32
    %dma_start3A_65 = arith.constant 0 : i32
    %dma_start3A_66 = tpu.memref_slice %arg6[%dma_start3A_63, %dma_start3A_64, %dma_start3A_65] : memref<8x200x64xf32, #tpu.memory_space<vmem>> -> memref<1x72x64xf32, #tpu.memory_space<vmem>>
    %dma_start3A_67 = tpu.memref_squeeze %dma_start3A_66 : memref<1x72x64xf32, #tpu.memory_space<vmem>> -> memref<72x64xf32, #tpu.memory_space<vmem>>
    %dma_start3A_68 = arith.constant 128 : i32
    %dma_start3A_69 = tpu.memref_slice %arg5[%dma_start3A_62, %dma_start3A_68] : memref<128x200xi32, #tpu.memory_space<vmem>> -> memref<1x72xi32, #tpu.memory_space<vmem>>
    %dma_start3A_70 = tpu.memref_squeeze %dma_start3A_69 : memref<1x72xi32, #tpu.memory_space<vmem>> -> memref<72xi32, #tpu.memory_space<vmem>>
    %dma_start3A_71 = arith.constant 0 : i32
    %dma_start3A_72 = arith.constant 0 : i32
    %dma_start3A_73 = tpu.memref_slice %arg3[%dma_start3A_71, %dma_start3A_72] : memref<1000000x64xf32, #tpu.memory_space<hbm>> -> memref<1000000x64xf32, #tpu.memory_space<hbm>>
    tpu.enqueue_indirect_dma source(%dma_start3A_73 : memref<1000000x64xf32, #tpu.memory_space<hbm>>) target(%dma_start3A_67 : memref<72x64xf32, #tpu.memory_space<vmem>>) offsets(%dma_start3A_70 : memref<72xi32, #tpu.memory_space<vmem>>) semaphore(%arg7 : memref<!tpu.dma_semaphore, #tpu.memory_space<semaphore_mem>>)
    %dma_start3A_74 = arith.constant 3 : i32
    %dma_start3A_75 = arith.constant 3 : i32
    %dma_start3A_76 = arith.constant 0 : i32
    %dma_start3A_77 = arith.constant 0 : i32
    %dma_start3A_78 = tpu.memref_slice %arg6[%dma_start3A_75, %dma_start3A_76, %dma_start3A_77] : memref<8x200x64xf32, #tpu.memory_space<vmem>> -> memref<1x128x64xf32, #tpu.memory_space<vmem>>
    %dma_start3A_79 = tpu.memref_squeeze %dma_start3A_78 : memref<1x128x64xf32, #tpu.memory_space<vmem>> -> memref<128x64xf32, #tpu.memory_space<vmem>>
    %dma_start3A_80 = arith.constant 0 : i32
    %dma_start3A_81 = tpu.memref_slice %arg5[%dma_start3A_74, %dma_start3A_80] : memref<128x200xi32, #tpu.memory_space<vmem>> -> memref<1x128xi32, #tpu.memory_space<vmem>>
    %dma_start3A_82 = tpu.memref_squeeze %dma_start3A_81 : memref<1x128xi32, #tpu.memory_space<vmem>> -> memref<128xi32, #tpu.memory_space<vmem>>
    %dma_start3A_83 = arith.constant 0 : i32
    %dma_start3A_84 = arith.constant 0 : i32
    %dma_start3A_85 = tpu.memref_slice %arg3[%dma_start3A_83, %dma_start3A_84] : memref<1000000x64xf32, #tpu.memory_space<hbm>> -> memref<1000000x64xf32, #tpu.memory_space<hbm>>
    tpu.enqueue_indirect_dma source(%dma_start3A_85 : memref<1000000x64xf32, #tpu.memory_space<hbm>>) target(%dma_start3A_79 : memref<128x64xf32, #tpu.memory_space<vmem>>) offsets(%dma_start3A_82 : memref<128xi32, #tpu.memory_space<vmem>>) semaphore(%arg7 : memref<!tpu.dma_semaphore, #tpu.memory_space<semaphore_mem>>)
    %dma_start3A_86 = arith.constant 3 : i32
    %dma_start3A_87 = arith.constant 3 : i32
    %dma_start3A_88 = arith.constant 128 : i32
    %dma_start3A_89 = arith.constant 0 : i32
    %dma_start3A_90 = tpu.memref_slice %arg6[%dma_start3A_87, %dma_start3A_88, %dma_start3A_89] : memref<8x200x64xf32, #tpu.memory_space<vmem>> -> memref<1x72x64xf32, #tpu.memory_space<vmem>>
    %dma_start3A_91 = tpu.memref_squeeze %dma_start3A_90 : memref<1x72x64xf32, #tpu.memory_space<vmem>> -> memref<72x64xf32, #tpu.memory_space<vmem>>
    %dma_start3A_92 = arith.constant 128 : i32
    %dma_start3A_93 = tpu.memref_slice %arg5[%dma_start3A_86, %dma_start3A_92] : memref<128x200xi32, #tpu.memory_space<vmem>> -> memref<1x72xi32, #tpu.memory_space<vmem>>
    %dma_start3A_94 = tpu.memref_squeeze %dma_start3A_93 : memref<1x72xi32, #tpu.memory_space<vmem>> -> memref<72xi32, #tpu.memory_space<vmem>>
    %dma_start3A_95 = arith.constant 0 : i32
    %dma_start3A_96 = arith.constant 0 : i32
    %dma_start3A_97 = tpu.memref_slice %arg3[%dma_start3A_95, %dma_start3A_96] : memref<1000000x64xf32, #tpu.memory_space<hbm>> -> memref<1000000x64xf32, #tpu.memory_space<hbm>>
    tpu.enqueue_indirect_dma source(%dma_start3A_97 : memref<1000000x64xf32, #tpu.memory_space<hbm>>) target(%dma_start3A_91 : memref<72x64xf32, #tpu.memory_space<vmem>>) offsets(%dma_start3A_94 : memref<72xi32, #tpu.memory_space<vmem>>) semaphore(%arg7 : memref<!tpu.dma_semaphore, #tpu.memory_space<semaphore_mem>>)
    %dma_start3A_98 = arith.constant 4 : i32
    %dma_start3A_99 = arith.constant 4 : i32
    %dma_start3A_100 = arith.constant 0 : i32
    %dma_start3A_101 = arith.constant 0 : i32
    %dma_start3A_102 = tpu.memref_slice %arg6[%dma_start3A_99, %dma_start3A_100, %dma_start3A_101] : memref<8x200x64xf32, #tpu.memory_space<vmem>> -> memref<1x128x64xf32, #tpu.memory_space<vmem>>
    %dma_start3A_103 = tpu.memref_squeeze %dma_start3A_102 : memref<1x128x64xf32, #tpu.memory_space<vmem>> -> memref<128x64xf32, #tpu.memory_space<vmem>>
    %dma_start3A_104 = arith.constant 0 : i32
    %dma_start3A_105 = tpu.memref_slice %arg5[%dma_start3A_98, %dma_start3A_104] : memref<128x200xi32, #tpu.memory_space<vmem>> -> memref<1x128xi32, #tpu.memory_space<vmem>>
    %dma_start3A_106 = tpu.memref_squeeze %dma_start3A_105 : memref<1x128xi32, #tpu.memory_space<vmem>> -> memref<128xi32, #tpu.memory_space<vmem>>
    %dma_start3A_107 = arith.constant 0 : i32
    %dma_start3A_108 = arith.constant 0 : i32
    %dma_start3A_109 = tpu.memref_slice %arg3[%dma_start3A_107, %dma_start3A_108] : memref<1000000x64xf32, #tpu.memory_space<hbm>> -> memref<1000000x64xf32, #tpu.memory_space<hbm>>
    tpu.enqueue_indirect_dma source(%dma_start3A_109 : memref<1000000x64xf32, #tpu.memory_space<hbm>>) target(%dma_start3A_103 : memref<128x64xf32, #tpu.memory_space<vmem>>) offsets(%dma_start3A_106 : memref<128xi32, #tpu.memory_space<vmem>>) semaphore(%arg7 : memref<!tpu.dma_semaphore, #tpu.memory_space<semaphore_mem>>)
    %dma_start3A_110 = arith.constant 4 : i32
    %dma_start3A_111 = arith.constant 4 : i32
    %dma_start3A_112 = arith.constant 128 : i32
    %dma_start3A_113 = arith.constant 0 : i32
    %dma_start3A_114 = tpu.memref_slice %arg6[%dma_start3A_111, %dma_start3A_112, %dma_start3A_113] : memref<8x200x64xf32, #tpu.memory_space<vmem>> -> memref<1x72x64xf32, #tpu.memory_space<vmem>>
    %dma_start3A_115 = tpu.memref_squeeze %dma_start3A_114 : memref<1x72x64xf32, #tpu.memory_space<vmem>> -> memref<72x64xf32, #tpu.memory_space<vmem>>
    %dma_start3A_116 = arith.constant 128 : i32
    %dma_start3A_117 = tpu.memref_slice %arg5[%dma_start3A_110, %dma_start3A_116] : memref<128x200xi32, #tpu.memory_space<vmem>> -> memref<1x72xi32, #tpu.memory_space<vmem>>
    %dma_start3A_118 = tpu.memref_squeeze %dma_start3A_117 : memref<1x72xi32, #tpu.memory_space<vmem>> -> memref<72xi32, #tpu.memory_space<vmem>>
    %dma_start3A_119 = arith.constant 0 : i32
    %dma_start3A_120 = arith.constant 0 : i32
    %dma_start3A_121 = tpu.memref_slice %arg3[%dma_start3A_119, %dma_start3A_120] : memref<1000000x64xf32, #tpu.memory_space<hbm>> -> memref<1000000x64xf32, #tpu.memory_space<hbm>>
    tpu.enqueue_indirect_dma source(%dma_start3A_121 : memref<1000000x64xf32, #tpu.memory_space<hbm>>) target(%dma_start3A_115 : memref<72x64xf32, #tpu.memory_space<vmem>>) offsets(%dma_start3A_118 : memref<72xi32, #tpu.memory_space<vmem>>) semaphore(%arg7 : memref<!tpu.dma_semaphore, #tpu.memory_space<semaphore_mem>>)
    %dma_wait3A = arith.constant 0 : i32
    %dma_wait3A_122 = arith.constant 0 : i32
    %dma_wait3A_123 = arith.constant 0 : i32
    %dma_wait3A_124 = arith.constant 0 : i32
    %dma_wait3A_125 = tpu.memref_slice %arg6[%dma_wait3A_122, %dma_wait3A_123, %dma_wait3A_124] : memref<8x200x64xf32, #tpu.memory_space<vmem>> -> memref<1x128x64xf32, #tpu.memory_space<vmem>>
    %dma_wait3A_126 = tpu.memref_squeeze %dma_wait3A_125 : memref<1x128x64xf32, #tpu.memory_space<vmem>> -> memref<128x64xf32, #tpu.memory_space<vmem>>
    %dma_wait3A_127 = arith.constant 0 : i32
    %dma_wait3A_128 = tpu.memref_slice %arg5[%dma_wait3A, %dma_wait3A_127] : memref<128x200xi32, #tpu.memory_space<vmem>> -> memref<1x128xi32, #tpu.memory_space<vmem>>
    %dma_wait3A_129 = tpu.memref_squeeze %dma_wait3A_128 : memref<1x128xi32, #tpu.memory_space<vmem>> -> memref<128xi32, #tpu.memory_space<vmem>>
    %dma_wait3A_130 = arith.constant 0 : i32
    %dma_wait3A_131 = arith.constant 0 : i32
    %dma_wait3A_132 = tpu.memref_slice %arg3[%dma_wait3A_130, %dma_wait3A_131] : memref<1000000x64xf32, #tpu.memory_space<hbm>> -> memref<1000000x64xf32, #tpu.memory_space<hbm>>
    tpu.wait_indirect_dma semaphore(%arg7 : memref<!tpu.dma_semaphore, #tpu.memory_space<semaphore_mem>>) src(%dma_wait3A_132 : memref<1000000x64xf32, #tpu.memory_space<hbm>>) dst(%dma_wait3A_126 : memref<128x64xf32, #tpu.memory_space<vmem>>)
    %dma_wait3A_133 = arith.constant 0 : i32
    %dma_wait3A_134 = arith.constant 0 : i32
    %dma_wait3A_135 = arith.constant 128 : i32
    %dma_wait3A_136 = arith.constant 0 : i32
    %dma_wait3A_137 = tpu.memref_slice %arg6[%dma_wait3A_134, %dma_wait3A_135, %dma_wait3A_136] : memref<8x200x64xf32, #tpu.memory_space<vmem>> -> memref<1x72x64xf32, #tpu.memory_space<vmem>>
    %dma_wait3A_138 = tpu.memref_squeeze %dma_wait3A_137 : memref<1x72x64xf32, #tpu.memory_space<vmem>> -> memref<72x64xf32, #tpu.memory_space<vmem>>
    %dma_wait3A_139 = arith.constant 128 : i32
    %dma_wait3A_140 = tpu.memref_slice %arg5[%dma_wait3A_133, %dma_wait3A_139] : memref<128x200xi32, #tpu.memory_space<vmem>> -> memref<1x72xi32, #tpu.memory_space<vmem>>
    %dma_wait3A_141 = tpu.memref_squeeze %dma_wait3A_140 : memref<1x72xi32, #tpu.memory_space<vmem>> -> memref<72xi32, #tpu.memory_space<vmem>>
    %dma_wait3A_142 = arith.constant 0 : i32
    %dma_wait3A_143 = arith.constant 0 : i32
    %dma_wait3A_144 = tpu.memref_slice %arg3[%dma_wait3A_142, %dma_wait3A_143] : memref<1000000x64xf32, #tpu.memory_space<hbm>> -> memref<1000000x64xf32, #tpu.memory_space<hbm>>
    tpu.wait_indirect_dma semaphore(%arg7 : memref<!tpu.dma_semaphore, #tpu.memory_space<semaphore_mem>>) src(%dma_wait3A_144 : memref<1000000x64xf32, #tpu.memory_space<hbm>>) dst(%dma_wait3A_138 : memref<72x64xf32, #tpu.memory_space<vmem>>)
    %add3A_145 = arith.constant 0 : i32
    %add3A_146 = arith.addi %multiple_of3A, %add3A_145 : i32
    %dma_start3A_147 = arith.constant 0 : i32
    %dma_start3A_148 = arith.constant 0 : i32
    %dma_start3A_149 = arith.constant 0 : i32
    %dma_start3A_150 = tpu.memref_slice %arg6[%dma_start3A_147, %dma_start3A_148, %dma_start3A_149] : memref<8x200x64xf32, #tpu.memory_space<vmem>> -> memref<1x200x64xf32, #tpu.memory_space<vmem>>
    %dma_start3A_151 = tpu.memref_squeeze %dma_start3A_150 : memref<1x200x64xf32, #tpu.memory_space<vmem>> -> memref<200x64xf32, #tpu.memory_space<vmem>>
    %dma_start3A_152 = arith.constant 0 : i32
    %dma_start3A_153 = arith.constant 0 : i32
    %dma_start3A_154 = tpu.memref_slice %arg4[%add3A_146, %dma_start3A_152, %dma_start3A_153] : memref<4096x200x64xf32, #tpu.memory_space<hbm>> -> memref<1x200x64xf32, #tpu.memory_space<hbm>>
    %dma_start3A_155 = tpu.memref_squeeze %dma_start3A_154 : memref<1x200x64xf32, #tpu.memory_space<hbm>> -> memref<200x64xf32, #tpu.memory_space<hbm>>
    %dma_start3A_156 = arith.constant 0 : i32
    %dma_start3A_157 = arith.constant 0 : i32
    %dma_start3A_158 = tpu.memref_slice %arg4[%add3A_146, %dma_start3A_156, %dma_start3A_157] : memref<4096x200x64xf32, #tpu.memory_space<hbm>> -> memref<1x200x64xf32, #tpu.memory_space<hbm>>
    %dma_start3A_159 = tpu.memref_squeeze %dma_start3A_158 : memref<1x200x64xf32, #tpu.memory_space<hbm>> -> memref<200x64xf32, #tpu.memory_space<hbm>>
    %dma_start3A_160 = arith.constant 0 : i32
    %dma_start3A_161 = arith.constant 0 : i32
    %dma_start3A_162 = tpu.memref_slice %arg6[%dma_start3A_147, %dma_start3A_160, %dma_start3A_161] : memref<8x200x64xf32, #tpu.memory_space<vmem>> -> memref<1x200x64xf32, #tpu.memory_space<vmem>>
    %dma_start3A_163 = tpu.memref_squeeze %dma_start3A_162 : memref<1x200x64xf32, #tpu.memory_space<vmem>> -> memref<200x64xf32, #tpu.memory_space<vmem>>
    tpu.enqueue_dma source(%dma_start3A_163 : memref<200x64xf32, #tpu.memory_space<vmem>>) target(%dma_start3A_159 : memref<200x64xf32, #tpu.memory_space<hbm>>) target_semaphore(%arg8 : memref<!tpu.dma_semaphore, #tpu.memory_space<semaphore_mem>>)
    %dma_start3A_164 = arith.constant 5 : i32
    %dma_start3A_165 = arith.constant 5 : i32
    %dma_start3A_166 = arith.constant 0 : i32
    %dma_start3A_167 = arith.constant 0 : i32
    %dma_start3A_168 = tpu.memref_slice %arg6[%dma_start3A_165, %dma_start3A_166, %dma_start3A_167] : memref<8x200x64xf32, #tpu.memory_space<vmem>> -> memref<1x128x64xf32, #tpu.memory_space<vmem>>
    %dma_start3A_169 = tpu.memref_squeeze %dma_start3A_168 : memref<1x128x64xf32, #tpu.memory_space<vmem>> -> memref<128x64xf32, #tpu.memory_space<vmem>>
    %dma_start3A_170 = arith.constant 0 : i32
    %dma_start3A_171 = tpu.memref_slice %arg5[%dma_start3A_164, %dma_start3A_170] : memref<128x200xi32, #tpu.memory_space<vmem>> -> memref<1x128xi32, #tpu.memory_space<vmem>>
    %dma_start3A_172 = tpu.memref_squeeze %dma_start3A_171 : memref<1x128xi32, #tpu.memory_space<vmem>> -> memref<128xi32, #tpu.memory_space<vmem>>
    %dma_start3A_173 = arith.constant 0 : i32
    %dma_start3A_174 = arith.constant 0 : i32
    %dma_start3A_175 = tpu.memref_slice %arg3[%dma_start3A_173, %dma_start3A_174] : memref<1000000x64xf32, #tpu.memory_space<hbm>> -> memref<1000000x64xf32, #tpu.memory_space<hbm>>
    tpu.enqueue_indirect_dma source(%dma_start3A_175 : memref<1000000x64xf32, #tpu.memory_space<hbm>>) target(%dma_start3A_169 : memref<128x64xf32, #tpu.memory_space<vmem>>) offsets(%dma_start3A_172 : memref<128xi32, #tpu.memory_space<vmem>>) semaphore(%arg7 : memref<!tpu.dma_semaphore, #tpu.memory_space<semaphore_mem>>)
    %dma_start3A_176 = arith.constant 5 : i32
    %dma_start3A_177 = arith.constant 5 : i32
    %dma_start3A_178 = arith.constant 128 : i32
    %dma_start3A_179 = arith.constant 0 : i32
    %dma_start3A_180 = tpu.memref_slice %arg6[%dma_start3A_177, %dma_start3A_178, %dma_start3A_179] : memref<8x200x64xf32, #tpu.memory_space<vmem>> -> memref<1x72x64xf32, #tpu.memory_space<vmem>>
    %dma_start3A_181 = tpu.memref_squeeze %dma_start3A_180 : memref<1x72x64xf32, #tpu.memory_space<vmem>> -> memref<72x64xf32, #tpu.memory_space<vmem>>
    %dma_start3A_182 = arith.constant 128 : i32
    %dma_start3A_183 = tpu.memref_slice %arg5[%dma_start3A_176, %dma_start3A_182] : memref<128x200xi32, #tpu.memory_space<vmem>> -> memref<1x72xi32, #tpu.memory_space<vmem>>
    %dma_start3A_184 = tpu.memref_squeeze %dma_start3A_183 : memref<1x72xi32, #tpu.memory_space<vmem>> -> memref<72xi32, #tpu.memory_space<vmem>>
    %dma_start3A_185 = arith.constant 0 : i32
    %dma_start3A_186 = arith.constant 0 : i32
    %dma_start3A_187 = tpu.memref_slice %arg3[%dma_start3A_185, %dma_start3A_186] : memref<1000000x64xf32, #tpu.memory_space<hbm>> -> memref<1000000x64xf32, #tpu.memory_space<hbm>>
    tpu.enqueue_indirect_dma source(%dma_start3A_187 : memref<1000000x64xf32, #tpu.memory_space<hbm>>) target(%dma_start3A_181 : memref<72x64xf32, #tpu.memory_space<vmem>>) offsets(%dma_start3A_184 : memref<72xi32, #tpu.memory_space<vmem>>) semaphore(%arg7 : memref<!tpu.dma_semaphore, #tpu.memory_space<semaphore_mem>>)
    %dma_wait3A_188 = arith.constant 1 : i32
    %dma_wait3A_189 = arith.constant 1 : i32
    %dma_wait3A_190 = arith.constant 0 : i32
    %dma_wait3A_191 = arith.constant 0 : i32
    %dma_wait3A_192 = tpu.memref_slice %arg6[%dma_wait3A_189, %dma_wait3A_190, %dma_wait3A_191] : memref<8x200x64xf32, #tpu.memory_space<vmem>> -> memref<1x128x64xf32, #tpu.memory_space<vmem>>
    %dma_wait3A_193 = tpu.memref_squeeze %dma_wait3A_192 : memref<1x128x64xf32, #tpu.memory_space<vmem>> -> memref<128x64xf32, #tpu.memory_space<vmem>>
    %dma_wait3A_194 = arith.constant 0 : i32
    %dma_wait3A_195 = tpu.memref_slice %arg5[%dma_wait3A_188, %dma_wait3A_194] : memref<128x200xi32, #tpu.memory_space<vmem>> -> memref<1x128xi32, #tpu.memory_space<vmem>>
    %dma_wait3A_196 = tpu.memref_squeeze %dma_wait3A_195 : memref<1x128xi32, #tpu.memory_space<vmem>> -> memref<128xi32, #tpu.memory_space<vmem>>
    %dma_wait3A_197 = arith.constant 0 : i32
    %dma_wait3A_198 = arith.constant 0 : i32
    %dma_wait3A_199 = tpu.memref_slice %arg3[%dma_wait3A_197, %dma_wait3A_198] : memref<1000000x64xf32, #tpu.memory_space<hbm>> -> memref<1000000x64xf32, #tpu.memory_space<hbm>>
    tpu.wait_indirect_dma semaphore(%arg7 : memref<!tpu.dma_semaphore, #tpu.memory_space<semaphore_mem>>) src(%dma_wait3A_199 : memref<1000000x64xf32, #tpu.memory_space<hbm>>) dst(%dma_wait3A_193 : memref<128x64xf32, #tpu.memory_space<vmem>>)
    %dma_wait3A_200 = arith.constant 1 : i32
    %dma_wait3A_201 = arith.constant 1 : i32
    %dma_wait3A_202 = arith.constant 128 : i32
    %dma_wait3A_203 = arith.constant 0 : i32
    %dma_wait3A_204 = tpu.memref_slice %arg6[%dma_wait3A_201, %dma_wait3A_202, %dma_wait3A_203] : memref<8x200x64xf32, #tpu.memory_space<vmem>> -> memref<1x72x64xf32, #tpu.memory_space<vmem>>
    %dma_wait3A_205 = tpu.memref_squeeze %dma_wait3A_204 : memref<1x72x64xf32, #tpu.memory_space<vmem>> -> memref<72x64xf32, #tpu.memory_space<vmem>>
    %dma_wait3A_206 = arith.constant 128 : i32
    %dma_wait3A_207 = tpu.memref_slice %arg5[%dma_wait3A_200, %dma_wait3A_206] : memref<128x200xi32, #tpu.memory_space<vmem>> -> memref<1x72xi32, #tpu.memory_space<vmem>>
    %dma_wait3A_208 = tpu.memref_squeeze %dma_wait3A_207 : memref<1x72xi32, #tpu.memory_space<vmem>> -> memref<72xi32, #tpu.memory_space<vmem>>
    %dma_wait3A_209 = arith.constant 0 : i32
    %dma_wait3A_210 = arith.constant 0 : i32
    %dma_wait3A_211 = tpu.memref_slice %arg3[%dma_wait3A_209, %dma_wait3A_210] : memref<1000000x64xf32, #tpu.memory_space<hbm>> -> memref<1000000x64xf32, #tpu.memory_space<hbm>>
    tpu.wait_indirect_dma semaphore(%arg7 : memref<!tpu.dma_semaphore, #tpu.memory_space<semaphore_mem>>) src(%dma_wait3A_211 : memref<1000000x64xf32, #tpu.memory_space<hbm>>) dst(%dma_wait3A_205 : memref<72x64xf32, #tpu.memory_space<vmem>>)
    %add3A_212 = arith.constant 1 : i32
    %add3A_213 = arith.addi %multiple_of3A, %add3A_212 : i32
    %dma_start3A_214 = arith.constant 1 : i32
    %dma_start3A_215 = arith.constant 0 : i32
    %dma_start3A_216 = arith.constant 0 : i32
    %dma_start3A_217 = tpu.memref_slice %arg6[%dma_start3A_214, %dma_start3A_215, %dma_start3A_216] : memref<8x200x64xf32, #tpu.memory_space<vmem>> -> memref<1x200x64xf32, #tpu.memory_space<vmem>>
    %dma_start3A_218 = tpu.memref_squeeze %dma_start3A_217 : memref<1x200x64xf32, #tpu.memory_space<vmem>> -> memref<200x64xf32, #tpu.memory_space<vmem>>
    %dma_start3A_219 = arith.constant 0 : i32
    %dma_start3A_220 = arith.constant 0 : i32
    %dma_start3A_221 = tpu.memref_slice %arg4[%add3A_213, %dma_start3A_219, %dma_start3A_220] : memref<4096x200x64xf32, #tpu.memory_space<hbm>> -> memref<1x200x64xf32, #tpu.memory_space<hbm>>
    %dma_start3A_222 = tpu.memref_squeeze %dma_start3A_221 : memref<1x200x64xf32, #tpu.memory_space<hbm>> -> memref<200x64xf32, #tpu.memory_space<hbm>>
    %dma_start3A_223 = arith.constant 0 : i32
    %dma_start3A_224 = arith.constant 0 : i32
    %dma_start3A_225 = tpu.memref_slice %arg4[%add3A_213, %dma_start3A_223, %dma_start3A_224] : memref<4096x200x64xf32, #tpu.memory_space<hbm>> -> memref<1x200x64xf32, #tpu.memory_space<hbm>>
    %dma_start3A_226 = tpu.memref_squeeze %dma_start3A_225 : memref<1x200x64xf32, #tpu.memory_space<hbm>> -> memref<200x64xf32, #tpu.memory_space<hbm>>
    %dma_start3A_227 = arith.constant 0 : i32
    %dma_start3A_228 = arith.constant 0 : i32
    %dma_start3A_229 = tpu.memref_slice %arg6[%dma_start3A_214, %dma_start3A_227, %dma_start3A_228] : memref<8x200x64xf32, #tpu.memory_space<vmem>> -> memref<1x200x64xf32, #tpu.memory_space<vmem>>
    %dma_start3A_230 = tpu.memref_squeeze %dma_start3A_229 : memref<1x200x64xf32, #tpu.memory_space<vmem>> -> memref<200x64xf32, #tpu.memory_space<vmem>>
    tpu.enqueue_dma source(%dma_start3A_230 : memref<200x64xf32, #tpu.memory_space<vmem>>) target(%dma_start3A_226 : memref<200x64xf32, #tpu.memory_space<hbm>>) target_semaphore(%arg8 : memref<!tpu.dma_semaphore, #tpu.memory_space<semaphore_mem>>)
    %dma_start3A_231 = arith.constant 6 : i32
    %dma_start3A_232 = arith.constant 6 : i32
    %dma_start3A_233 = arith.constant 0 : i32
    %dma_start3A_234 = arith.constant 0 : i32
    %dma_start3A_235 = tpu.memref_slice %arg6[%dma_start3A_232, %dma_start3A_233, %dma_start3A_234] : memref<8x200x64xf32, #tpu.memory_space<vmem>> -> memref<1x128x64xf32, #tpu.memory_space<vmem>>
    %dma_start3A_236 = tpu.memref_squeeze %dma_start3A_235 : memref<1x128x64xf32, #tpu.memory_space<vmem>> -> memref<128x64xf32, #tpu.memory_space<vmem>>
    %dma_start3A_237 = arith.constant 0 : i32
    %dma_start3A_238 = tpu.memref_slice %arg5[%dma_start3A_231, %dma_start3A_237] : memref<128x200xi32, #tpu.memory_space<vmem>> -> memref<1x128xi32, #tpu.memory_space<vmem>>
    %dma_start3A_239 = tpu.memref_squeeze %dma_start3A_238 : memref<1x128xi32, #tpu.memory_space<vmem>> -> memref<128xi32, #tpu.memory_space<vmem>>
    %dma_start3A_240 = arith.constant 0 : i32
    %dma_start3A_241 = arith.constant 0 : i32
    %dma_start3A_242 = tpu.memref_slice %arg3[%dma_start3A_240, %dma_start3A_241] : memref<1000000x64xf32, #tpu.memory_space<hbm>> -> memref<1000000x64xf32, #tpu.memory_space<hbm>>
    tpu.enqueue_indirect_dma source(%dma_start3A_242 : memref<1000000x64xf32, #tpu.memory_space<hbm>>) target(%dma_start3A_236 : memref<128x64xf32, #tpu.memory_space<vmem>>) offsets(%dma_start3A_239 : memref<128xi32, #tpu.memory_space<vmem>>) semaphore(%arg7 : memref<!tpu.dma_semaphore, #tpu.memory_space<semaphore_mem>>)
    %dma_start3A_243 = arith.constant 6 : i32
    %dma_start3A_244 = arith.constant 6 : i32
    %dma_start3A_245 = arith.constant 128 : i32
    %dma_start3A_246 = arith.constant 0 : i32
    %dma_start3A_247 = tpu.memref_slice %arg6[%dma_start3A_244, %dma_start3A_245, %dma_start3A_246] : memref<8x200x64xf32, #tpu.memory_space<vmem>> -> memref<1x72x64xf32, #tpu.memory_space<vmem>>
    %dma_start3A_248 = tpu.memref_squeeze %dma_start3A_247 : memref<1x72x64xf32, #tpu.memory_space<vmem>> -> memref<72x64xf32, #tpu.memory_space<vmem>>
    %dma_start3A_249 = arith.constant 128 : i32
    %dma_start3A_250 = tpu.memref_slice %arg5[%dma_start3A_243, %dma_start3A_249] : memref<128x200xi32, #tpu.memory_space<vmem>> -> memref<1x72xi32, #tpu.memory_space<vmem>>
    %dma_start3A_251 = tpu.memref_squeeze %dma_start3A_250 : memref<1x72xi32, #tpu.memory_space<vmem>> -> memref<72xi32, #tpu.memory_space<vmem>>
    %dma_start3A_252 = arith.constant 0 : i32
    %dma_start3A_253 = arith.constant 0 : i32
    %dma_start3A_254 = tpu.memref_slice %arg3[%dma_start3A_252, %dma_start3A_253] : memref<1000000x64xf32, #tpu.memory_space<hbm>> -> memref<1000000x64xf32, #tpu.memory_space<hbm>>
    tpu.enqueue_indirect_dma source(%dma_start3A_254 : memref<1000000x64xf32, #tpu.memory_space<hbm>>) target(%dma_start3A_248 : memref<72x64xf32, #tpu.memory_space<vmem>>) offsets(%dma_start3A_251 : memref<72xi32, #tpu.memory_space<vmem>>) semaphore(%arg7 : memref<!tpu.dma_semaphore, #tpu.memory_space<semaphore_mem>>)
    %dma_wait3A_255 = arith.constant 2 : i32
    %dma_wait3A_256 = arith.constant 2 : i32
    %dma_wait3A_257 = arith.constant 0 : i32
    %dma_wait3A_258 = arith.constant 0 : i32
    %dma_wait3A_259 = tpu.memref_slice %arg6[%dma_wait3A_256, %dma_wait3A_257, %dma_wait3A_258] : memref<8x200x64xf32, #tpu.memory_space<vmem>> -> memref<1x128x64xf32, #tpu.memory_space<vmem>>
    %dma_wait3A_260 = tpu.memref_squeeze %dma_wait3A_259 : memref<1x128x64xf32, #tpu.memory_space<vmem>> -> memref<128x64xf32, #tpu.memory_space<vmem>>
    %dma_wait3A_261 = arith.constant 0 : i32
    %dma_wait3A_262 = tpu.memref_slice %arg5[%dma_wait3A_255, %dma_wait3A_261] : memref<128x200xi32, #tpu.memory_space<vmem>> -> memref<1x128xi32, #tpu.memory_space<vmem>>
    %dma_wait3A_263 = tpu.memref_squeeze %dma_wait3A_262 : memref<1x128xi32, #tpu.memory_space<vmem>> -> memref<128xi32, #tpu.memory_space<vmem>>
    %dma_wait3A_264 = arith.constant 0 : i32
    %dma_wait3A_265 = arith.constant 0 : i32
    %dma_wait3A_266 = tpu.memref_slice %arg3[%dma_wait3A_264, %dma_wait3A_265] : memref<1000000x64xf32, #tpu.memory_space<hbm>> -> memref<1000000x64xf32, #tpu.memory_space<hbm>>
    tpu.wait_indirect_dma semaphore(%arg7 : memref<!tpu.dma_semaphore, #tpu.memory_space<semaphore_mem>>) src(%dma_wait3A_266 : memref<1000000x64xf32, #tpu.memory_space<hbm>>) dst(%dma_wait3A_260 : memref<128x64xf32, #tpu.memory_space<vmem>>)
    %dma_wait3A_267 = arith.constant 2 : i32
    %dma_wait3A_268 = arith.constant 2 : i32
    %dma_wait3A_269 = arith.constant 128 : i32
    %dma_wait3A_270 = arith.constant 0 : i32
    %dma_wait3A_271 = tpu.memref_slice %arg6[%dma_wait3A_268, %dma_wait3A_269, %dma_wait3A_270] : memref<8x200x64xf32, #tpu.memory_space<vmem>> -> memref<1x72x64xf32, #tpu.memory_space<vmem>>
    %dma_wait3A_272 = tpu.memref_squeeze %dma_wait3A_271 : memref<1x72x64xf32, #tpu.memory_space<vmem>> -> memref<72x64xf32, #tpu.memory_space<vmem>>
    %dma_wait3A_273 = arith.constant 128 : i32
    %dma_wait3A_274 = tpu.memref_slice %arg5[%dma_wait3A_267, %dma_wait3A_273] : memref<128x200xi32, #tpu.memory_space<vmem>> -> memref<1x72xi32, #tpu.memory_space<vmem>>
    %dma_wait3A_275 = tpu.memref_squeeze %dma_wait3A_274 : memref<1x72xi32, #tpu.memory_space<vmem>> -> memref<72xi32, #tpu.memory_space<vmem>>
    %dma_wait3A_276 = arith.constant 0 : i32
    %dma_wait3A_277 = arith.constant 0 : i32
    %dma_wait3A_278 = tpu.memref_slice %arg3[%dma_wait3A_276, %dma_wait3A_277] : memref<1000000x64xf32, #tpu.memory_space<hbm>> -> memref<1000000x64xf32, #tpu.memory_space<hbm>>
    tpu.wait_indirect_dma semaphore(%arg7 : memref<!tpu.dma_semaphore, #tpu.memory_space<semaphore_mem>>) src(%dma_wait3A_278 : memref<1000000x64xf32, #tpu.memory_space<hbm>>) dst(%dma_wait3A_272 : memref<72x64xf32, #tpu.memory_space<vmem>>)
    %add3A_279 = arith.constant 2 : i32
    %add3A_280 = arith.addi %multiple_of3A, %add3A_279 : i32
    %dma_start3A_281 = arith.constant 2 : i32
    %dma_start3A_282 = arith.constant 0 : i32
    %dma_start3A_283 = arith.constant 0 : i32
    %dma_start3A_284 = tpu.memref_slice %arg6[%dma_start3A_281, %dma_start3A_282, %dma_start3A_283] : memref<8x200x64xf32, #tpu.memory_space<vmem>> -> memref<1x200x64xf32, #tpu.memory_space<vmem>>
    %dma_start3A_285 = tpu.memref_squeeze %dma_start3A_284 : memref<1x200x64xf32, #tpu.memory_space<vmem>> -> memref<200x64xf32, #tpu.memory_space<vmem>>
    %dma_start3A_286 = arith.constant 0 : i32
    %dma_start3A_287 = arith.constant 0 : i32
    %dma_start3A_288 = tpu.memref_slice %arg4[%add3A_280, %dma_start3A_286, %dma_start3A_287] : memref<4096x200x64xf32, #tpu.memory_space<hbm>> -> memref<1x200x64xf32, #tpu.memory_space<hbm>>
    %dma_start3A_289 = tpu.memref_squeeze %dma_start3A_288 : memref<1x200x64xf32, #tpu.memory_space<hbm>> -> memref<200x64xf32, #tpu.memory_space<hbm>>
    %dma_start3A_290 = arith.constant 0 : i32
    %dma_start3A_291 = arith.constant 0 : i32
    %dma_start3A_292 = tpu.memref_slice %arg4[%add3A_280, %dma_start3A_290, %dma_start3A_291] : memref<4096x200x64xf32, #tpu.memory_space<hbm>> -> memref<1x200x64xf32, #tpu.memory_space<hbm>>
    %dma_start3A_293 = tpu.memref_squeeze %dma_start3A_292 : memref<1x200x64xf32, #tpu.memory_space<hbm>> -> memref<200x64xf32, #tpu.memory_space<hbm>>
    %dma_start3A_294 = arith.constant 0 : i32
    %dma_start3A_295 = arith.constant 0 : i32
    %dma_start3A_296 = tpu.memref_slice %arg6[%dma_start3A_281, %dma_start3A_294, %dma_start3A_295] : memref<8x200x64xf32, #tpu.memory_space<vmem>> -> memref<1x200x64xf32, #tpu.memory_space<vmem>>
    %dma_start3A_297 = tpu.memref_squeeze %dma_start3A_296 : memref<1x200x64xf32, #tpu.memory_space<vmem>> -> memref<200x64xf32, #tpu.memory_space<vmem>>
    tpu.enqueue_dma source(%dma_start3A_297 : memref<200x64xf32, #tpu.memory_space<vmem>>) target(%dma_start3A_293 : memref<200x64xf32, #tpu.memory_space<hbm>>) target_semaphore(%arg8 : memref<!tpu.dma_semaphore, #tpu.memory_space<semaphore_mem>>)
    %dma_start3A_298 = arith.constant 7 : i32
    %dma_start3A_299 = arith.constant 7 : i32
    %dma_start3A_300 = arith.constant 0 : i32
    %dma_start3A_301 = arith.constant 0 : i32
    %dma_start3A_302 = tpu.memref_slice %arg6[%dma_start3A_299, %dma_start3A_300, %dma_start3A_301] : memref<8x200x64xf32, #tpu.memory_space<vmem>> -> memref<1x128x64xf32, #tpu.memory_space<vmem>>
    %dma_start3A_303 = tpu.memref_squeeze %dma_start3A_302 : memref<1x128x64xf32, #tpu.memory_space<vmem>> -> memref<128x64xf32, #tpu.memory_space<vmem>>
    %dma_start3A_304 = arith.constant 0 : i32
    %dma_start3A_305 = tpu.memref_slice %arg5[%dma_start3A_298, %dma_start3A_304] : memref<128x200xi32, #tpu.memory_space<vmem>> -> memref<1x128xi32, #tpu.memory_space<vmem>>
    %dma_start3A_306 = tpu.memref_squeeze %dma_start3A_305 : memref<1x128xi32, #tpu.memory_space<vmem>> -> memref<128xi32, #tpu.memory_space<vmem>>
    %dma_start3A_307 = arith.constant 0 : i32
    %dma_start3A_308 = arith.constant 0 : i32
    %dma_start3A_309 = tpu.memref_slice %arg3[%dma_start3A_307, %dma_start3A_308] : memref<1000000x64xf32, #tpu.memory_space<hbm>> -> memref<1000000x64xf32, #tpu.memory_space<hbm>>
    tpu.enqueue_indirect_dma source(%dma_start3A_309 : memref<1000000x64xf32, #tpu.memory_space<hbm>>) target(%dma_start3A_303 : memref<128x64xf32, #tpu.memory_space<vmem>>) offsets(%dma_start3A_306 : memref<128xi32, #tpu.memory_space<vmem>>) semaphore(%arg7 : memref<!tpu.dma_semaphore, #tpu.memory_space<semaphore_mem>>)
    %dma_start3A_310 = arith.constant 7 : i32
    %dma_start3A_311 = arith.constant 7 : i32
    %dma_start3A_312 = arith.constant 128 : i32
    %dma_start3A_313 = arith.constant 0 : i32
    %dma_start3A_314 = tpu.memref_slice %arg6[%dma_start3A_311, %dma_start3A_312, %dma_start3A_313] : memref<8x200x64xf32, #tpu.memory_space<vmem>> -> memref<1x72x64xf32, #tpu.memory_space<vmem>>
    %dma_start3A_315 = tpu.memref_squeeze %dma_start3A_314 : memref<1x72x64xf32, #tpu.memory_space<vmem>> -> memref<72x64xf32, #tpu.memory_space<vmem>>
    %dma_start3A_316 = arith.constant 128 : i32
    %dma_start3A_317 = tpu.memref_slice %arg5[%dma_start3A_310, %dma_start3A_316] : memref<128x200xi32, #tpu.memory_space<vmem>> -> memref<1x72xi32, #tpu.memory_space<vmem>>
    %dma_start3A_318 = tpu.memref_squeeze %dma_start3A_317 : memref<1x72xi32, #tpu.memory_space<vmem>> -> memref<72xi32, #tpu.memory_space<vmem>>
    %dma_start3A_319 = arith.constant 0 : i32
    %dma_start3A_320 = arith.constant 0 : i32
    %dma_start3A_321 = tpu.memref_slice %arg3[%dma_start3A_319, %dma_start3A_320] : memref<1000000x64xf32, #tpu.memory_space<hbm>> -> memref<1000000x64xf32, #tpu.memory_space<hbm>>
    tpu.enqueue_indirect_dma source(%dma_start3A_321 : memref<1000000x64xf32, #tpu.memory_space<hbm>>) target(%dma_start3A_315 : memref<72x64xf32, #tpu.memory_space<vmem>>) offsets(%dma_start3A_318 : memref<72xi32, #tpu.memory_space<vmem>>) semaphore(%arg7 : memref<!tpu.dma_semaphore, #tpu.memory_space<semaphore_mem>>)
    %scan3A = arith.constant 0 : i32
    %scan3A_322 = arith.constant 8 : i32
    %scan3A_323 = arith.constant 120 : i32
    %scan3A_324 = arith.addi %scan3A_322, %scan3A_323 : i32
    %scan3A_325 = arith.constant 1 : i32
    scf.for %scan3A_694 = %scan3A_322 to %scan3A_324 step %scan3A_325  : i32 {
      %sub3A = arith.constant 5 : i32
      %sub3A_695 = arith.subi %scan3A_694, %sub3A : i32
      %rem3A = arith.constant 8 : i32
      %rem3A_696 = arith.remsi %sub3A_695, %rem3A : i32
      %dma_wait3A_697 = arith.constant 0 : i32
      %dma_wait3A_698 = arith.constant 0 : i32
      %dma_wait3A_699 = tpu.memref_slice %arg6[%rem3A_696, %dma_wait3A_697, %dma_wait3A_698] : memref<8x200x64xf32, #tpu.memory_space<vmem>> -> memref<1x128x64xf32, #tpu.memory_space<vmem>>
      %dma_wait3A_700 = tpu.memref_squeeze %dma_wait3A_699 : memref<1x128x64xf32, #tpu.memory_space<vmem>> -> memref<128x64xf32, #tpu.memory_space<vmem>>
      %dma_wait3A_701 = arith.constant 0 : i32
      %dma_wait3A_702 = tpu.memref_slice %arg5[%sub3A_695, %dma_wait3A_701] : memref<128x200xi32, #tpu.memory_space<vmem>> -> memref<1x128xi32, #tpu.memory_space<vmem>>
      %dma_wait3A_703 = tpu.memref_squeeze %dma_wait3A_702 : memref<1x128xi32, #tpu.memory_space<vmem>> -> memref<128xi32, #tpu.memory_space<vmem>>
      %dma_wait3A_704 = arith.constant 0 : i32
      %dma_wait3A_705 = arith.constant 0 : i32
      %dma_wait3A_706 = tpu.memref_slice %arg3[%dma_wait3A_704, %dma_wait3A_705] : memref<1000000x64xf32, #tpu.memory_space<hbm>> -> memref<1000000x64xf32, #tpu.memory_space<hbm>>
      tpu.wait_indirect_dma semaphore(%arg7 : memref<!tpu.dma_semaphore, #tpu.memory_space<semaphore_mem>>) src(%dma_wait3A_706 : memref<1000000x64xf32, #tpu.memory_space<hbm>>) dst(%dma_wait3A_700 : memref<128x64xf32, #tpu.memory_space<vmem>>)
      %dma_wait3A_707 = arith.constant 128 : i32
      %dma_wait3A_708 = arith.constant 0 : i32
      %dma_wait3A_709 = tpu.memref_slice %arg6[%rem3A_696, %dma_wait3A_707, %dma_wait3A_708] : memref<8x200x64xf32, #tpu.memory_space<vmem>> -> memref<1x72x64xf32, #tpu.memory_space<vmem>>
      %dma_wait3A_710 = tpu.memref_squeeze %dma_wait3A_709 : memref<1x72x64xf32, #tpu.memory_space<vmem>> -> memref<72x64xf32, #tpu.memory_space<vmem>>
      %dma_wait3A_711 = arith.constant 128 : i32
      %dma_wait3A_712 = tpu.memref_slice %arg5[%sub3A_695, %dma_wait3A_711] : memref<128x200xi32, #tpu.memory_space<vmem>> -> memref<1x72xi32, #tpu.memory_space<vmem>>
      %dma_wait3A_713 = tpu.memref_squeeze %dma_wait3A_712 : memref<1x72xi32, #tpu.memory_space<vmem>> -> memref<72xi32, #tpu.memory_space<vmem>>
      %dma_wait3A_714 = arith.constant 0 : i32
      %dma_wait3A_715 = arith.constant 0 : i32
      %dma_wait3A_716 = tpu.memref_slice %arg3[%dma_wait3A_714, %dma_wait3A_715] : memref<1000000x64xf32, #tpu.memory_space<hbm>> -> memref<1000000x64xf32, #tpu.memory_space<hbm>>
      tpu.wait_indirect_dma semaphore(%arg7 : memref<!tpu.dma_semaphore, #tpu.memory_space<semaphore_mem>>) src(%dma_wait3A_716 : memref<1000000x64xf32, #tpu.memory_space<hbm>>) dst(%dma_wait3A_710 : memref<72x64xf32, #tpu.memory_space<vmem>>)
      %sub3A_717 = arith.constant 5 : i32
      %sub3A_718 = arith.subi %scan3A_694, %sub3A_717 : i32
      %rem3A_719 = arith.constant 8 : i32
      %rem3A_720 = arith.remsi %sub3A_718, %rem3A_719 : i32
      %add3A_721 = arith.addi %multiple_of3A, %sub3A_718 : i32
      %dma_start3A_722 = arith.constant 0 : i32
      %dma_start3A_723 = arith.constant 0 : i32
      %dma_start3A_724 = tpu.memref_slice %arg6[%rem3A_720, %dma_start3A_722, %dma_start3A_723] : memref<8x200x64xf32, #tpu.memory_space<vmem>> -> memref<1x200x64xf32, #tpu.memory_space<vmem>>
      %dma_start3A_725 = tpu.memref_squeeze %dma_start3A_724 : memref<1x200x64xf32, #tpu.memory_space<vmem>> -> memref<200x64xf32, #tpu.memory_space<vmem>>
      %dma_start3A_726 = arith.constant 0 : i32
      %dma_start3A_727 = arith.constant 0 : i32
      %dma_start3A_728 = tpu.memref_slice %arg4[%add3A_721, %dma_start3A_726, %dma_start3A_727] : memref<4096x200x64xf32, #tpu.memory_space<hbm>> -> memref<1x200x64xf32, #tpu.memory_space<hbm>>
      %dma_start3A_729 = tpu.memref_squeeze %dma_start3A_728 : memref<1x200x64xf32, #tpu.memory_space<hbm>> -> memref<200x64xf32, #tpu.memory_space<hbm>>
      %dma_start3A_730 = arith.constant 0 : i32
      %dma_start3A_731 = arith.constant 0 : i32
      %dma_start3A_732 = tpu.memref_slice %arg4[%add3A_721, %dma_start3A_730, %dma_start3A_731] : memref<4096x200x64xf32, #tpu.memory_space<hbm>> -> memref<1x200x64xf32, #tpu.memory_space<hbm>>
      %dma_start3A_733 = tpu.memref_squeeze %dma_start3A_732 : memref<1x200x64xf32, #tpu.memory_space<hbm>> -> memref<200x64xf32, #tpu.memory_space<hbm>>
      %dma_start3A_734 = arith.constant 0 : i32
      %dma_start3A_735 = arith.constant 0 : i32
      %dma_start3A_736 = tpu.memref_slice %arg6[%rem3A_720, %dma_start3A_734, %dma_start3A_735] : memref<8x200x64xf32, #tpu.memory_space<vmem>> -> memref<1x200x64xf32, #tpu.memory_space<vmem>>
      %dma_start3A_737 = tpu.memref_squeeze %dma_start3A_736 : memref<1x200x64xf32, #tpu.memory_space<vmem>> -> memref<200x64xf32, #tpu.memory_space<vmem>>
      tpu.enqueue_dma source(%dma_start3A_737 : memref<200x64xf32, #tpu.memory_space<vmem>>) target(%dma_start3A_733 : memref<200x64xf32, #tpu.memory_space<hbm>>) target_semaphore(%arg8 : memref<!tpu.dma_semaphore, #tpu.memory_space<semaphore_mem>>)
      %sub3A_738 = arith.constant 8 : i32
      %sub3A_739 = arith.subi %scan3A_694, %sub3A_738 : i32
      %rem3A_740 = arith.constant 8 : i32
      %rem3A_741 = arith.remsi %sub3A_739, %rem3A_740 : i32
      %add3A_742 = arith.addi %multiple_of3A, %sub3A_739 : i32
      %dma_wait3A_743 = arith.constant 0 : i32
      %dma_wait3A_744 = arith.constant 0 : i32
      %dma_wait3A_745 = tpu.memref_slice %arg6[%rem3A_741, %dma_wait3A_743, %dma_wait3A_744] : memref<8x200x64xf32, #tpu.memory_space<vmem>> -> memref<1x200x64xf32, #tpu.memory_space<vmem>>
      %dma_wait3A_746 = tpu.memref_squeeze %dma_wait3A_745 : memref<1x200x64xf32, #tpu.memory_space<vmem>> -> memref<200x64xf32, #tpu.memory_space<vmem>>
      %dma_wait3A_747 = arith.constant 0 : i32
      %dma_wait3A_748 = arith.constant 0 : i32
      %dma_wait3A_749 = tpu.memref_slice %arg4[%add3A_742, %dma_wait3A_747, %dma_wait3A_748] : memref<4096x200x64xf32, #tpu.memory_space<hbm>> -> memref<1x200x64xf32, #tpu.memory_space<hbm>>
      %dma_wait3A_750 = tpu.memref_squeeze %dma_wait3A_749 : memref<1x200x64xf32, #tpu.memory_space<hbm>> -> memref<200x64xf32, #tpu.memory_space<hbm>>
      %dma_wait3A_751 = arith.constant 0 : i32
      %dma_wait3A_752 = arith.constant 0 : i32
      %dma_wait3A_753 = tpu.memref_slice %arg4[%add3A_742, %dma_wait3A_751, %dma_wait3A_752] : memref<4096x200x64xf32, #tpu.memory_space<hbm>> -> memref<1x200x64xf32, #tpu.memory_space<hbm>>
      %dma_wait3A_754 = tpu.memref_squeeze %dma_wait3A_753 : memref<1x200x64xf32, #tpu.memory_space<hbm>> -> memref<200x64xf32, #tpu.memory_space<hbm>>
      %dma_wait3A_755 = arith.constant 0 : i32
      %dma_wait3A_756 = arith.constant 0 : i32
      %dma_wait3A_757 = tpu.memref_slice %arg6[%rem3A_741, %dma_wait3A_755, %dma_wait3A_756] : memref<8x200x64xf32, #tpu.memory_space<vmem>> -> memref<1x200x64xf32, #tpu.memory_space<vmem>>
      %dma_wait3A_758 = tpu.memref_squeeze %dma_wait3A_757 : memref<1x200x64xf32, #tpu.memory_space<vmem>> -> memref<200x64xf32, #tpu.memory_space<vmem>>
      tpu.wait_dma2 semaphore(%arg8 : memref<!tpu.dma_semaphore, #tpu.memory_space<semaphore_mem>>) src(%dma_wait3A_758 : memref<200x64xf32, #tpu.memory_space<vmem>>) dst(%dma_wait3A_754 : memref<200x64xf32, #tpu.memory_space<hbm>>)
      %rem3A_759 = arith.constant 8 : i32
      %rem3A_760 = arith.remsi %scan3A_694, %rem3A_759 : i32
      %dma_start3A_761 = arith.constant 0 : i32
      %dma_start3A_762 = arith.constant 0 : i32
      %dma_start3A_763 = tpu.memref_slice %arg6[%rem3A_760, %dma_start3A_761, %dma_start3A_762] : memref<8x200x64xf32, #tpu.memory_space<vmem>> -> memref<1x128x64xf32, #tpu.memory_space<vmem>>
      %dma_start3A_764 = tpu.memref_squeeze %dma_start3A_763 : memref<1x128x64xf32, #tpu.memory_space<vmem>> -> memref<128x64xf32, #tpu.memory_space<vmem>>
      %dma_start3A_765 = arith.constant 0 : i32
      %dma_start3A_766 = tpu.memref_slice %arg5[%scan3A_694, %dma_start3A_765] : memref<128x200xi32, #tpu.memory_space<vmem>> -> memref<1x128xi32, #tpu.memory_space<vmem>>
      %dma_start3A_767 = tpu.memref_squeeze %dma_start3A_766 : memref<1x128xi32, #tpu.memory_space<vmem>> -> memref<128xi32, #tpu.memory_space<vmem>>
      %dma_start3A_768 = arith.constant 0 : i32
      %dma_start3A_769 = arith.constant 0 : i32
      %dma_start3A_770 = tpu.memref_slice %arg3[%dma_start3A_768, %dma_start3A_769] : memref<1000000x64xf32, #tpu.memory_space<hbm>> -> memref<1000000x64xf32, #tpu.memory_space<hbm>>
      tpu.enqueue_indirect_dma source(%dma_start3A_770 : memref<1000000x64xf32, #tpu.memory_space<hbm>>) target(%dma_start3A_764 : memref<128x64xf32, #tpu.memory_space<vmem>>) offsets(%dma_start3A_767 : memref<128xi32, #tpu.memory_space<vmem>>) semaphore(%arg7 : memref<!tpu.dma_semaphore, #tpu.memory_space<semaphore_mem>>)
      %dma_start3A_771 = arith.constant 128 : i32
      %dma_start3A_772 = arith.constant 0 : i32
      %dma_start3A_773 = tpu.memref_slice %arg6[%rem3A_760, %dma_start3A_771, %dma_start3A_772] : memref<8x200x64xf32, #tpu.memory_space<vmem>> -> memref<1x72x64xf32, #tpu.memory_space<vmem>>
      %dma_start3A_774 = tpu.memref_squeeze %dma_start3A_773 : memref<1x72x64xf32, #tpu.memory_space<vmem>> -> memref<72x64xf32, #tpu.memory_space<vmem>>
      %dma_start3A_775 = arith.constant 128 : i32
      %dma_start3A_776 = tpu.memref_slice %arg5[%scan3A_694, %dma_start3A_775] : memref<128x200xi32, #tpu.memory_space<vmem>> -> memref<1x72xi32, #tpu.memory_space<vmem>>
      %dma_start3A_777 = tpu.memref_squeeze %dma_start3A_776 : memref<1x72xi32, #tpu.memory_space<vmem>> -> memref<72xi32, #tpu.memory_space<vmem>>
      %dma_start3A_778 = arith.constant 0 : i32
      %dma_start3A_779 = arith.constant 0 : i32
      %dma_start3A_780 = tpu.memref_slice %arg3[%dma_start3A_778, %dma_start3A_779] : memref<1000000x64xf32, #tpu.memory_space<hbm>> -> memref<1000000x64xf32, #tpu.memory_space<hbm>>
      tpu.enqueue_indirect_dma source(%dma_start3A_780 : memref<1000000x64xf32, #tpu.memory_space<hbm>>) target(%dma_start3A_774 : memref<72x64xf32, #tpu.memory_space<vmem>>) offsets(%dma_start3A_777 : memref<72xi32, #tpu.memory_space<vmem>>) semaphore(%arg7 : memref<!tpu.dma_semaphore, #tpu.memory_space<semaphore_mem>>)
    }
    %scan3A_326 = arith.constant 120 : i32
    %dma_wait3A_327 = arith.constant 123 : i32
    %dma_wait3A_328 = arith.constant 3 : i32
    %dma_wait3A_329 = arith.constant 0 : i32
    %dma_wait3A_330 = arith.constant 0 : i32
    %dma_wait3A_331 = tpu.memref_slice %arg6[%dma_wait3A_328, %dma_wait3A_329, %dma_wait3A_330] : memref<8x200x64xf32, #tpu.memory_space<vmem>> -> memref<1x128x64xf32, #tpu.memory_space<vmem>>
    %dma_wait3A_332 = tpu.memref_squeeze %dma_wait3A_331 : memref<1x128x64xf32, #tpu.memory_space<vmem>> -> memref<128x64xf32, #tpu.memory_space<vmem>>
    %dma_wait3A_333 = arith.constant 0 : i32
    %dma_wait3A_334 = tpu.memref_slice %arg5[%dma_wait3A_327, %dma_wait3A_333] : memref<128x200xi32, #tpu.memory_space<vmem>> -> memref<1x128xi32, #tpu.memory_space<vmem>>
    %dma_wait3A_335 = tpu.memref_squeeze %dma_wait3A_334 : memref<1x128xi32, #tpu.memory_space<vmem>> -> memref<128xi32, #tpu.memory_space<vmem>>
    %dma_wait3A_336 = arith.constant 0 : i32
    %dma_wait3A_337 = arith.constant 0 : i32
    %dma_wait3A_338 = tpu.memref_slice %arg3[%dma_wait3A_336, %dma_wait3A_337] : memref<1000000x64xf32, #tpu.memory_space<hbm>> -> memref<1000000x64xf32, #tpu.memory_space<hbm>>
    tpu.wait_indirect_dma semaphore(%arg7 : memref<!tpu.dma_semaphore, #tpu.memory_space<semaphore_mem>>) src(%dma_wait3A_338 : memref<1000000x64xf32, #tpu.memory_space<hbm>>) dst(%dma_wait3A_332 : memref<128x64xf32, #tpu.memory_space<vmem>>)
    %dma_wait3A_339 = arith.constant 123 : i32
    %dma_wait3A_340 = arith.constant 3 : i32
    %dma_wait3A_341 = arith.constant 128 : i32
    %dma_wait3A_342 = arith.constant 0 : i32
    %dma_wait3A_343 = tpu.memref_slice %arg6[%dma_wait3A_340, %dma_wait3A_341, %dma_wait3A_342] : memref<8x200x64xf32, #tpu.memory_space<vmem>> -> memref<1x72x64xf32, #tpu.memory_space<vmem>>
    %dma_wait3A_344 = tpu.memref_squeeze %dma_wait3A_343 : memref<1x72x64xf32, #tpu.memory_space<vmem>> -> memref<72x64xf32, #tpu.memory_space<vmem>>
    %dma_wait3A_345 = arith.constant 128 : i32
    %dma_wait3A_346 = tpu.memref_slice %arg5[%dma_wait3A_339, %dma_wait3A_345] : memref<128x200xi32, #tpu.memory_space<vmem>> -> memref<1x72xi32, #tpu.memory_space<vmem>>
    %dma_wait3A_347 = tpu.memref_squeeze %dma_wait3A_346 : memref<1x72xi32, #tpu.memory_space<vmem>> -> memref<72xi32, #tpu.memory_space<vmem>>
    %dma_wait3A_348 = arith.constant 0 : i32
    %dma_wait3A_349 = arith.constant 0 : i32
    %dma_wait3A_350 = tpu.memref_slice %arg3[%dma_wait3A_348, %dma_wait3A_349] : memref<1000000x64xf32, #tpu.memory_space<hbm>> -> memref<1000000x64xf32, #tpu.memory_space<hbm>>
    tpu.wait_indirect_dma semaphore(%arg7 : memref<!tpu.dma_semaphore, #tpu.memory_space<semaphore_mem>>) src(%dma_wait3A_350 : memref<1000000x64xf32, #tpu.memory_space<hbm>>) dst(%dma_wait3A_344 : memref<72x64xf32, #tpu.memory_space<vmem>>)
    %add3A_351 = arith.constant 123 : i32
    %add3A_352 = arith.addi %multiple_of3A, %add3A_351 : i32
    %dma_start3A_353 = arith.constant 3 : i32
    %dma_start3A_354 = arith.constant 0 : i32
    %dma_start3A_355 = arith.constant 0 : i32
    %dma_start3A_356 = tpu.memref_slice %arg6[%dma_start3A_353, %dma_start3A_354, %dma_start3A_355] : memref<8x200x64xf32, #tpu.memory_space<vmem>> -> memref<1x200x64xf32, #tpu.memory_space<vmem>>
    %dma_start3A_357 = tpu.memref_squeeze %dma_start3A_356 : memref<1x200x64xf32, #tpu.memory_space<vmem>> -> memref<200x64xf32, #tpu.memory_space<vmem>>
    %dma_start3A_358 = arith.constant 0 : i32
    %dma_start3A_359 = arith.constant 0 : i32
    %dma_start3A_360 = tpu.memref_slice %arg4[%add3A_352, %dma_start3A_358, %dma_start3A_359] : memref<4096x200x64xf32, #tpu.memory_space<hbm>> -> memref<1x200x64xf32, #tpu.memory_space<hbm>>
    %dma_start3A_361 = tpu.memref_squeeze %dma_start3A_360 : memref<1x200x64xf32, #tpu.memory_space<hbm>> -> memref<200x64xf32, #tpu.memory_space<hbm>>
    %dma_start3A_362 = arith.constant 0 : i32
    %dma_start3A_363 = arith.constant 0 : i32
    %dma_start3A_364 = tpu.memref_slice %arg4[%add3A_352, %dma_start3A_362, %dma_start3A_363] : memref<4096x200x64xf32, #tpu.memory_space<hbm>> -> memref<1x200x64xf32, #tpu.memory_space<hbm>>
    %dma_start3A_365 = tpu.memref_squeeze %dma_start3A_364 : memref<1x200x64xf32, #tpu.memory_space<hbm>> -> memref<200x64xf32, #tpu.memory_space<hbm>>
    %dma_start3A_366 = arith.constant 0 : i32
    %dma_start3A_367 = arith.constant 0 : i32
    %dma_start3A_368 = tpu.memref_slice %arg6[%dma_start3A_353, %dma_start3A_366, %dma_start3A_367] : memref<8x200x64xf32, #tpu.memory_space<vmem>> -> memref<1x200x64xf32, #tpu.memory_space<vmem>>
    %dma_start3A_369 = tpu.memref_squeeze %dma_start3A_368 : memref<1x200x64xf32, #tpu.memory_space<vmem>> -> memref<200x64xf32, #tpu.memory_space<vmem>>
    tpu.enqueue_dma source(%dma_start3A_369 : memref<200x64xf32, #tpu.memory_space<vmem>>) target(%dma_start3A_365 : memref<200x64xf32, #tpu.memory_space<hbm>>) target_semaphore(%arg8 : memref<!tpu.dma_semaphore, #tpu.memory_space<semaphore_mem>>)
    %dma_wait3A_370 = arith.constant 124 : i32
    %dma_wait3A_371 = arith.constant 4 : i32
    %dma_wait3A_372 = arith.constant 0 : i32
    %dma_wait3A_373 = arith.constant 0 : i32
    %dma_wait3A_374 = tpu.memref_slice %arg6[%dma_wait3A_371, %dma_wait3A_372, %dma_wait3A_373] : memref<8x200x64xf32, #tpu.memory_space<vmem>> -> memref<1x128x64xf32, #tpu.memory_space<vmem>>
    %dma_wait3A_375 = tpu.memref_squeeze %dma_wait3A_374 : memref<1x128x64xf32, #tpu.memory_space<vmem>> -> memref<128x64xf32, #tpu.memory_space<vmem>>
    %dma_wait3A_376 = arith.constant 0 : i32
    %dma_wait3A_377 = tpu.memref_slice %arg5[%dma_wait3A_370, %dma_wait3A_376] : memref<128x200xi32, #tpu.memory_space<vmem>> -> memref<1x128xi32, #tpu.memory_space<vmem>>
    %dma_wait3A_378 = tpu.memref_squeeze %dma_wait3A_377 : memref<1x128xi32, #tpu.memory_space<vmem>> -> memref<128xi32, #tpu.memory_space<vmem>>
    %dma_wait3A_379 = arith.constant 0 : i32
    %dma_wait3A_380 = arith.constant 0 : i32
    %dma_wait3A_381 = tpu.memref_slice %arg3[%dma_wait3A_379, %dma_wait3A_380] : memref<1000000x64xf32, #tpu.memory_space<hbm>> -> memref<1000000x64xf32, #tpu.memory_space<hbm>>
    tpu.wait_indirect_dma semaphore(%arg7 : memref<!tpu.dma_semaphore, #tpu.memory_space<semaphore_mem>>) src(%dma_wait3A_381 : memref<1000000x64xf32, #tpu.memory_space<hbm>>) dst(%dma_wait3A_375 : memref<128x64xf32, #tpu.memory_space<vmem>>)
    %dma_wait3A_382 = arith.constant 124 : i32
    %dma_wait3A_383 = arith.constant 4 : i32
    %dma_wait3A_384 = arith.constant 128 : i32
    %dma_wait3A_385 = arith.constant 0 : i32
    %dma_wait3A_386 = tpu.memref_slice %arg6[%dma_wait3A_383, %dma_wait3A_384, %dma_wait3A_385] : memref<8x200x64xf32, #tpu.memory_space<vmem>> -> memref<1x72x64xf32, #tpu.memory_space<vmem>>
    %dma_wait3A_387 = tpu.memref_squeeze %dma_wait3A_386 : memref<1x72x64xf32, #tpu.memory_space<vmem>> -> memref<72x64xf32, #tpu.memory_space<vmem>>
    %dma_wait3A_388 = arith.constant 128 : i32
    %dma_wait3A_389 = tpu.memref_slice %arg5[%dma_wait3A_382, %dma_wait3A_388] : memref<128x200xi32, #tpu.memory_space<vmem>> -> memref<1x72xi32, #tpu.memory_space<vmem>>
    %dma_wait3A_390 = tpu.memref_squeeze %dma_wait3A_389 : memref<1x72xi32, #tpu.memory_space<vmem>> -> memref<72xi32, #tpu.memory_space<vmem>>
    %dma_wait3A_391 = arith.constant 0 : i32
    %dma_wait3A_392 = arith.constant 0 : i32
    %dma_wait3A_393 = tpu.memref_slice %arg3[%dma_wait3A_391, %dma_wait3A_392] : memref<1000000x64xf32, #tpu.memory_space<hbm>> -> memref<1000000x64xf32, #tpu.memory_space<hbm>>
    tpu.wait_indirect_dma semaphore(%arg7 : memref<!tpu.dma_semaphore, #tpu.memory_space<semaphore_mem>>) src(%dma_wait3A_393 : memref<1000000x64xf32, #tpu.memory_space<hbm>>) dst(%dma_wait3A_387 : memref<72x64xf32, #tpu.memory_space<vmem>>)
    %add3A_394 = arith.constant 124 : i32
    %add3A_395 = arith.addi %multiple_of3A, %add3A_394 : i32
    %dma_start3A_396 = arith.constant 4 : i32
    %dma_start3A_397 = arith.constant 0 : i32
    %dma_start3A_398 = arith.constant 0 : i32
    %dma_start3A_399 = tpu.memref_slice %arg6[%dma_start3A_396, %dma_start3A_397, %dma_start3A_398] : memref<8x200x64xf32, #tpu.memory_space<vmem>> -> memref<1x200x64xf32, #tpu.memory_space<vmem>>
    %dma_start3A_400 = tpu.memref_squeeze %dma_start3A_399 : memref<1x200x64xf32, #tpu.memory_space<vmem>> -> memref<200x64xf32, #tpu.memory_space<vmem>>
    %dma_start3A_401 = arith.constant 0 : i32
    %dma_start3A_402 = arith.constant 0 : i32
    %dma_start3A_403 = tpu.memref_slice %arg4[%add3A_395, %dma_start3A_401, %dma_start3A_402] : memref<4096x200x64xf32, #tpu.memory_space<hbm>> -> memref<1x200x64xf32, #tpu.memory_space<hbm>>
    %dma_start3A_404 = tpu.memref_squeeze %dma_start3A_403 : memref<1x200x64xf32, #tpu.memory_space<hbm>> -> memref<200x64xf32, #tpu.memory_space<hbm>>
    %dma_start3A_405 = arith.constant 0 : i32
    %dma_start3A_406 = arith.constant 0 : i32
    %dma_start3A_407 = tpu.memref_slice %arg4[%add3A_395, %dma_start3A_405, %dma_start3A_406] : memref<4096x200x64xf32, #tpu.memory_space<hbm>> -> memref<1x200x64xf32, #tpu.memory_space<hbm>>
    %dma_start3A_408 = tpu.memref_squeeze %dma_start3A_407 : memref<1x200x64xf32, #tpu.memory_space<hbm>> -> memref<200x64xf32, #tpu.memory_space<hbm>>
    %dma_start3A_409 = arith.constant 0 : i32
    %dma_start3A_410 = arith.constant 0 : i32
    %dma_start3A_411 = tpu.memref_slice %arg6[%dma_start3A_396, %dma_start3A_409, %dma_start3A_410] : memref<8x200x64xf32, #tpu.memory_space<vmem>> -> memref<1x200x64xf32, #tpu.memory_space<vmem>>
    %dma_start3A_412 = tpu.memref_squeeze %dma_start3A_411 : memref<1x200x64xf32, #tpu.memory_space<vmem>> -> memref<200x64xf32, #tpu.memory_space<vmem>>
    tpu.enqueue_dma source(%dma_start3A_412 : memref<200x64xf32, #tpu.memory_space<vmem>>) target(%dma_start3A_408 : memref<200x64xf32, #tpu.memory_space<hbm>>) target_semaphore(%arg8 : memref<!tpu.dma_semaphore, #tpu.memory_space<semaphore_mem>>)
    %dma_wait3A_413 = arith.constant 125 : i32
    %dma_wait3A_414 = arith.constant 5 : i32
    %dma_wait3A_415 = arith.constant 0 : i32
    %dma_wait3A_416 = arith.constant 0 : i32
    %dma_wait3A_417 = tpu.memref_slice %arg6[%dma_wait3A_414, %dma_wait3A_415, %dma_wait3A_416] : memref<8x200x64xf32, #tpu.memory_space<vmem>> -> memref<1x128x64xf32, #tpu.memory_space<vmem>>
    %dma_wait3A_418 = tpu.memref_squeeze %dma_wait3A_417 : memref<1x128x64xf32, #tpu.memory_space<vmem>> -> memref<128x64xf32, #tpu.memory_space<vmem>>
    %dma_wait3A_419 = arith.constant 0 : i32
    %dma_wait3A_420 = tpu.memref_slice %arg5[%dma_wait3A_413, %dma_wait3A_419] : memref<128x200xi32, #tpu.memory_space<vmem>> -> memref<1x128xi32, #tpu.memory_space<vmem>>
    %dma_wait3A_421 = tpu.memref_squeeze %dma_wait3A_420 : memref<1x128xi32, #tpu.memory_space<vmem>> -> memref<128xi32, #tpu.memory_space<vmem>>
    %dma_wait3A_422 = arith.constant 0 : i32
    %dma_wait3A_423 = arith.constant 0 : i32
    %dma_wait3A_424 = tpu.memref_slice %arg3[%dma_wait3A_422, %dma_wait3A_423] : memref<1000000x64xf32, #tpu.memory_space<hbm>> -> memref<1000000x64xf32, #tpu.memory_space<hbm>>
    tpu.wait_indirect_dma semaphore(%arg7 : memref<!tpu.dma_semaphore, #tpu.memory_space<semaphore_mem>>) src(%dma_wait3A_424 : memref<1000000x64xf32, #tpu.memory_space<hbm>>) dst(%dma_wait3A_418 : memref<128x64xf32, #tpu.memory_space<vmem>>)
    %dma_wait3A_425 = arith.constant 125 : i32
    %dma_wait3A_426 = arith.constant 5 : i32
    %dma_wait3A_427 = arith.constant 128 : i32
    %dma_wait3A_428 = arith.constant 0 : i32
    %dma_wait3A_429 = tpu.memref_slice %arg6[%dma_wait3A_426, %dma_wait3A_427, %dma_wait3A_428] : memref<8x200x64xf32, #tpu.memory_space<vmem>> -> memref<1x72x64xf32, #tpu.memory_space<vmem>>
    %dma_wait3A_430 = tpu.memref_squeeze %dma_wait3A_429 : memref<1x72x64xf32, #tpu.memory_space<vmem>> -> memref<72x64xf32, #tpu.memory_space<vmem>>
    %dma_wait3A_431 = arith.constant 128 : i32
    %dma_wait3A_432 = tpu.memref_slice %arg5[%dma_wait3A_425, %dma_wait3A_431] : memref<128x200xi32, #tpu.memory_space<vmem>> -> memref<1x72xi32, #tpu.memory_space<vmem>>
    %dma_wait3A_433 = tpu.memref_squeeze %dma_wait3A_432 : memref<1x72xi32, #tpu.memory_space<vmem>> -> memref<72xi32, #tpu.memory_space<vmem>>
    %dma_wait3A_434 = arith.constant 0 : i32
    %dma_wait3A_435 = arith.constant 0 : i32
    %dma_wait3A_436 = tpu.memref_slice %arg3[%dma_wait3A_434, %dma_wait3A_435] : memref<1000000x64xf32, #tpu.memory_space<hbm>> -> memref<1000000x64xf32, #tpu.memory_space<hbm>>
    tpu.wait_indirect_dma semaphore(%arg7 : memref<!tpu.dma_semaphore, #tpu.memory_space<semaphore_mem>>) src(%dma_wait3A_436 : memref<1000000x64xf32, #tpu.memory_space<hbm>>) dst(%dma_wait3A_430 : memref<72x64xf32, #tpu.memory_space<vmem>>)
    %add3A_437 = arith.constant 125 : i32
    %add3A_438 = arith.addi %multiple_of3A, %add3A_437 : i32
    %dma_start3A_439 = arith.constant 5 : i32
    %dma_start3A_440 = arith.constant 0 : i32
    %dma_start3A_441 = arith.constant 0 : i32
    %dma_start3A_442 = tpu.memref_slice %arg6[%dma_start3A_439, %dma_start3A_440, %dma_start3A_441] : memref<8x200x64xf32, #tpu.memory_space<vmem>> -> memref<1x200x64xf32, #tpu.memory_space<vmem>>
    %dma_start3A_443 = tpu.memref_squeeze %dma_start3A_442 : memref<1x200x64xf32, #tpu.memory_space<vmem>> -> memref<200x64xf32, #tpu.memory_space<vmem>>
    %dma_start3A_444 = arith.constant 0 : i32
    %dma_start3A_445 = arith.constant 0 : i32
    %dma_start3A_446 = tpu.memref_slice %arg4[%add3A_438, %dma_start3A_444, %dma_start3A_445] : memref<4096x200x64xf32, #tpu.memory_space<hbm>> -> memref<1x200x64xf32, #tpu.memory_space<hbm>>
    %dma_start3A_447 = tpu.memref_squeeze %dma_start3A_446 : memref<1x200x64xf32, #tpu.memory_space<hbm>> -> memref<200x64xf32, #tpu.memory_space<hbm>>
    %dma_start3A_448 = arith.constant 0 : i32
    %dma_start3A_449 = arith.constant 0 : i32
    %dma_start3A_450 = tpu.memref_slice %arg4[%add3A_438, %dma_start3A_448, %dma_start3A_449] : memref<4096x200x64xf32, #tpu.memory_space<hbm>> -> memref<1x200x64xf32, #tpu.memory_space<hbm>>
    %dma_start3A_451 = tpu.memref_squeeze %dma_start3A_450 : memref<1x200x64xf32, #tpu.memory_space<hbm>> -> memref<200x64xf32, #tpu.memory_space<hbm>>
    %dma_start3A_452 = arith.constant 0 : i32
    %dma_start3A_453 = arith.constant 0 : i32
    %dma_start3A_454 = tpu.memref_slice %arg6[%dma_start3A_439, %dma_start3A_452, %dma_start3A_453] : memref<8x200x64xf32, #tpu.memory_space<vmem>> -> memref<1x200x64xf32, #tpu.memory_space<vmem>>
    %dma_start3A_455 = tpu.memref_squeeze %dma_start3A_454 : memref<1x200x64xf32, #tpu.memory_space<vmem>> -> memref<200x64xf32, #tpu.memory_space<vmem>>
    tpu.enqueue_dma source(%dma_start3A_455 : memref<200x64xf32, #tpu.memory_space<vmem>>) target(%dma_start3A_451 : memref<200x64xf32, #tpu.memory_space<hbm>>) target_semaphore(%arg8 : memref<!tpu.dma_semaphore, #tpu.memory_space<semaphore_mem>>)
    %dma_wait3A_456 = arith.constant 126 : i32
    %dma_wait3A_457 = arith.constant 6 : i32
    %dma_wait3A_458 = arith.constant 0 : i32
    %dma_wait3A_459 = arith.constant 0 : i32
    %dma_wait3A_460 = tpu.memref_slice %arg6[%dma_wait3A_457, %dma_wait3A_458, %dma_wait3A_459] : memref<8x200x64xf32, #tpu.memory_space<vmem>> -> memref<1x128x64xf32, #tpu.memory_space<vmem>>
    %dma_wait3A_461 = tpu.memref_squeeze %dma_wait3A_460 : memref<1x128x64xf32, #tpu.memory_space<vmem>> -> memref<128x64xf32, #tpu.memory_space<vmem>>
    %dma_wait3A_462 = arith.constant 0 : i32
    %dma_wait3A_463 = tpu.memref_slice %arg5[%dma_wait3A_456, %dma_wait3A_462] : memref<128x200xi32, #tpu.memory_space<vmem>> -> memref<1x128xi32, #tpu.memory_space<vmem>>
    %dma_wait3A_464 = tpu.memref_squeeze %dma_wait3A_463 : memref<1x128xi32, #tpu.memory_space<vmem>> -> memref<128xi32, #tpu.memory_space<vmem>>
    %dma_wait3A_465 = arith.constant 0 : i32
    %dma_wait3A_466 = arith.constant 0 : i32
    %dma_wait3A_467 = tpu.memref_slice %arg3[%dma_wait3A_465, %dma_wait3A_466] : memref<1000000x64xf32, #tpu.memory_space<hbm>> -> memref<1000000x64xf32, #tpu.memory_space<hbm>>
    tpu.wait_indirect_dma semaphore(%arg7 : memref<!tpu.dma_semaphore, #tpu.memory_space<semaphore_mem>>) src(%dma_wait3A_467 : memref<1000000x64xf32, #tpu.memory_space<hbm>>) dst(%dma_wait3A_461 : memref<128x64xf32, #tpu.memory_space<vmem>>)
    %dma_wait3A_468 = arith.constant 126 : i32
    %dma_wait3A_469 = arith.constant 6 : i32
    %dma_wait3A_470 = arith.constant 128 : i32
    %dma_wait3A_471 = arith.constant 0 : i32
    %dma_wait3A_472 = tpu.memref_slice %arg6[%dma_wait3A_469, %dma_wait3A_470, %dma_wait3A_471] : memref<8x200x64xf32, #tpu.memory_space<vmem>> -> memref<1x72x64xf32, #tpu.memory_space<vmem>>
    %dma_wait3A_473 = tpu.memref_squeeze %dma_wait3A_472 : memref<1x72x64xf32, #tpu.memory_space<vmem>> -> memref<72x64xf32, #tpu.memory_space<vmem>>
    %dma_wait3A_474 = arith.constant 128 : i32
    %dma_wait3A_475 = tpu.memref_slice %arg5[%dma_wait3A_468, %dma_wait3A_474] : memref<128x200xi32, #tpu.memory_space<vmem>> -> memref<1x72xi32, #tpu.memory_space<vmem>>
    %dma_wait3A_476 = tpu.memref_squeeze %dma_wait3A_475 : memref<1x72xi32, #tpu.memory_space<vmem>> -> memref<72xi32, #tpu.memory_space<vmem>>
    %dma_wait3A_477 = arith.constant 0 : i32
    %dma_wait3A_478 = arith.constant 0 : i32
    %dma_wait3A_479 = tpu.memref_slice %arg3[%dma_wait3A_477, %dma_wait3A_478] : memref<1000000x64xf32, #tpu.memory_space<hbm>> -> memref<1000000x64xf32, #tpu.memory_space<hbm>>
    tpu.wait_indirect_dma semaphore(%arg7 : memref<!tpu.dma_semaphore, #tpu.memory_space<semaphore_mem>>) src(%dma_wait3A_479 : memref<1000000x64xf32, #tpu.memory_space<hbm>>) dst(%dma_wait3A_473 : memref<72x64xf32, #tpu.memory_space<vmem>>)
    %add3A_480 = arith.constant 126 : i32
    %add3A_481 = arith.addi %multiple_of3A, %add3A_480 : i32
    %dma_start3A_482 = arith.constant 6 : i32
    %dma_start3A_483 = arith.constant 0 : i32
    %dma_start3A_484 = arith.constant 0 : i32
    %dma_start3A_485 = tpu.memref_slice %arg6[%dma_start3A_482, %dma_start3A_483, %dma_start3A_484] : memref<8x200x64xf32, #tpu.memory_space<vmem>> -> memref<1x200x64xf32, #tpu.memory_space<vmem>>
    %dma_start3A_486 = tpu.memref_squeeze %dma_start3A_485 : memref<1x200x64xf32, #tpu.memory_space<vmem>> -> memref<200x64xf32, #tpu.memory_space<vmem>>
    %dma_start3A_487 = arith.constant 0 : i32
    %dma_start3A_488 = arith.constant 0 : i32
    %dma_start3A_489 = tpu.memref_slice %arg4[%add3A_481, %dma_start3A_487, %dma_start3A_488] : memref<4096x200x64xf32, #tpu.memory_space<hbm>> -> memref<1x200x64xf32, #tpu.memory_space<hbm>>
    %dma_start3A_490 = tpu.memref_squeeze %dma_start3A_489 : memref<1x200x64xf32, #tpu.memory_space<hbm>> -> memref<200x64xf32, #tpu.memory_space<hbm>>
    %dma_start3A_491 = arith.constant 0 : i32
    %dma_start3A_492 = arith.constant 0 : i32
    %dma_start3A_493 = tpu.memref_slice %arg4[%add3A_481, %dma_start3A_491, %dma_start3A_492] : memref<4096x200x64xf32, #tpu.memory_space<hbm>> -> memref<1x200x64xf32, #tpu.memory_space<hbm>>
    %dma_start3A_494 = tpu.memref_squeeze %dma_start3A_493 : memref<1x200x64xf32, #tpu.memory_space<hbm>> -> memref<200x64xf32, #tpu.memory_space<hbm>>
    %dma_start3A_495 = arith.constant 0 : i32
    %dma_start3A_496 = arith.constant 0 : i32
    %dma_start3A_497 = tpu.memref_slice %arg6[%dma_start3A_482, %dma_start3A_495, %dma_start3A_496] : memref<8x200x64xf32, #tpu.memory_space<vmem>> -> memref<1x200x64xf32, #tpu.memory_space<vmem>>
    %dma_start3A_498 = tpu.memref_squeeze %dma_start3A_497 : memref<1x200x64xf32, #tpu.memory_space<vmem>> -> memref<200x64xf32, #tpu.memory_space<vmem>>
    tpu.enqueue_dma source(%dma_start3A_498 : memref<200x64xf32, #tpu.memory_space<vmem>>) target(%dma_start3A_494 : memref<200x64xf32, #tpu.memory_space<hbm>>) target_semaphore(%arg8 : memref<!tpu.dma_semaphore, #tpu.memory_space<semaphore_mem>>)
    %dma_wait3A_499 = arith.constant 127 : i32
    %dma_wait3A_500 = arith.constant 7 : i32
    %dma_wait3A_501 = arith.constant 0 : i32
    %dma_wait3A_502 = arith.constant 0 : i32
    %dma_wait3A_503 = tpu.memref_slice %arg6[%dma_wait3A_500, %dma_wait3A_501, %dma_wait3A_502] : memref<8x200x64xf32, #tpu.memory_space<vmem>> -> memref<1x128x64xf32, #tpu.memory_space<vmem>>
    %dma_wait3A_504 = tpu.memref_squeeze %dma_wait3A_503 : memref<1x128x64xf32, #tpu.memory_space<vmem>> -> memref<128x64xf32, #tpu.memory_space<vmem>>
    %dma_wait3A_505 = arith.constant 0 : i32
    %dma_wait3A_506 = tpu.memref_slice %arg5[%dma_wait3A_499, %dma_wait3A_505] : memref<128x200xi32, #tpu.memory_space<vmem>> -> memref<1x128xi32, #tpu.memory_space<vmem>>
    %dma_wait3A_507 = tpu.memref_squeeze %dma_wait3A_506 : memref<1x128xi32, #tpu.memory_space<vmem>> -> memref<128xi32, #tpu.memory_space<vmem>>
    %dma_wait3A_508 = arith.constant 0 : i32
    %dma_wait3A_509 = arith.constant 0 : i32
    %dma_wait3A_510 = tpu.memref_slice %arg3[%dma_wait3A_508, %dma_wait3A_509] : memref<1000000x64xf32, #tpu.memory_space<hbm>> -> memref<1000000x64xf32, #tpu.memory_space<hbm>>
    tpu.wait_indirect_dma semaphore(%arg7 : memref<!tpu.dma_semaphore, #tpu.memory_space<semaphore_mem>>) src(%dma_wait3A_510 : memref<1000000x64xf32, #tpu.memory_space<hbm>>) dst(%dma_wait3A_504 : memref<128x64xf32, #tpu.memory_space<vmem>>)
    %dma_wait3A_511 = arith.constant 127 : i32
    %dma_wait3A_512 = arith.constant 7 : i32
    %dma_wait3A_513 = arith.constant 128 : i32
    %dma_wait3A_514 = arith.constant 0 : i32
    %dma_wait3A_515 = tpu.memref_slice %arg6[%dma_wait3A_512, %dma_wait3A_513, %dma_wait3A_514] : memref<8x200x64xf32, #tpu.memory_space<vmem>> -> memref<1x72x64xf32, #tpu.memory_space<vmem>>
    %dma_wait3A_516 = tpu.memref_squeeze %dma_wait3A_515 : memref<1x72x64xf32, #tpu.memory_space<vmem>> -> memref<72x64xf32, #tpu.memory_space<vmem>>
    %dma_wait3A_517 = arith.constant 128 : i32
    %dma_wait3A_518 = tpu.memref_slice %arg5[%dma_wait3A_511, %dma_wait3A_517] : memref<128x200xi32, #tpu.memory_space<vmem>> -> memref<1x72xi32, #tpu.memory_space<vmem>>
    %dma_wait3A_519 = tpu.memref_squeeze %dma_wait3A_518 : memref<1x72xi32, #tpu.memory_space<vmem>> -> memref<72xi32, #tpu.memory_space<vmem>>
    %dma_wait3A_520 = arith.constant 0 : i32
    %dma_wait3A_521 = arith.constant 0 : i32
    %dma_wait3A_522 = tpu.memref_slice %arg3[%dma_wait3A_520, %dma_wait3A_521] : memref<1000000x64xf32, #tpu.memory_space<hbm>> -> memref<1000000x64xf32, #tpu.memory_space<hbm>>
    tpu.wait_indirect_dma semaphore(%arg7 : memref<!tpu.dma_semaphore, #tpu.memory_space<semaphore_mem>>) src(%dma_wait3A_522 : memref<1000000x64xf32, #tpu.memory_space<hbm>>) dst(%dma_wait3A_516 : memref<72x64xf32, #tpu.memory_space<vmem>>)
    %add3A_523 = arith.constant 127 : i32
    %add3A_524 = arith.addi %multiple_of3A, %add3A_523 : i32
    %dma_start3A_525 = arith.constant 7 : i32
    %dma_start3A_526 = arith.constant 0 : i32
    %dma_start3A_527 = arith.constant 0 : i32
    %dma_start3A_528 = tpu.memref_slice %arg6[%dma_start3A_525, %dma_start3A_526, %dma_start3A_527] : memref<8x200x64xf32, #tpu.memory_space<vmem>> -> memref<1x200x64xf32, #tpu.memory_space<vmem>>
    %dma_start3A_529 = tpu.memref_squeeze %dma_start3A_528 : memref<1x200x64xf32, #tpu.memory_space<vmem>> -> memref<200x64xf32, #tpu.memory_space<vmem>>
    %dma_start3A_530 = arith.constant 0 : i32
    %dma_start3A_531 = arith.constant 0 : i32
    %dma_start3A_532 = tpu.memref_slice %arg4[%add3A_524, %dma_start3A_530, %dma_start3A_531] : memref<4096x200x64xf32, #tpu.memory_space<hbm>> -> memref<1x200x64xf32, #tpu.memory_space<hbm>>
    %dma_start3A_533 = tpu.memref_squeeze %dma_start3A_532 : memref<1x200x64xf32, #tpu.memory_space<hbm>> -> memref<200x64xf32, #tpu.memory_space<hbm>>
    %dma_start3A_534 = arith.constant 0 : i32
    %dma_start3A_535 = arith.constant 0 : i32
    %dma_start3A_536 = tpu.memref_slice %arg4[%add3A_524, %dma_start3A_534, %dma_start3A_535] : memref<4096x200x64xf32, #tpu.memory_space<hbm>> -> memref<1x200x64xf32, #tpu.memory_space<hbm>>
    %dma_start3A_537 = tpu.memref_squeeze %dma_start3A_536 : memref<1x200x64xf32, #tpu.memory_space<hbm>> -> memref<200x64xf32, #tpu.memory_space<hbm>>
    %dma_start3A_538 = arith.constant 0 : i32
    %dma_start3A_539 = arith.constant 0 : i32
    %dma_start3A_540 = tpu.memref_slice %arg6[%dma_start3A_525, %dma_start3A_538, %dma_start3A_539] : memref<8x200x64xf32, #tpu.memory_space<vmem>> -> memref<1x200x64xf32, #tpu.memory_space<vmem>>
    %dma_start3A_541 = tpu.memref_squeeze %dma_start3A_540 : memref<1x200x64xf32, #tpu.memory_space<vmem>> -> memref<200x64xf32, #tpu.memory_space<vmem>>
    tpu.enqueue_dma source(%dma_start3A_541 : memref<200x64xf32, #tpu.memory_space<vmem>>) target(%dma_start3A_537 : memref<200x64xf32, #tpu.memory_space<hbm>>) target_semaphore(%arg8 : memref<!tpu.dma_semaphore, #tpu.memory_space<semaphore_mem>>)
    %add3A_542 = arith.constant 120 : i32
    %add3A_543 = arith.addi %multiple_of3A, %add3A_542 : i32
    %dma_wait3A_544 = arith.constant 0 : i32
    %dma_wait3A_545 = arith.constant 0 : i32
    %dma_wait3A_546 = arith.constant 0 : i32
    %dma_wait3A_547 = tpu.memref_slice %arg6[%dma_wait3A_544, %dma_wait3A_545, %dma_wait3A_546] : memref<8x200x64xf32, #tpu.memory_space<vmem>> -> memref<1x200x64xf32, #tpu.memory_space<vmem>>
    %dma_wait3A_548 = tpu.memref_squeeze %dma_wait3A_547 : memref<1x200x64xf32, #tpu.memory_space<vmem>> -> memref<200x64xf32, #tpu.memory_space<vmem>>
    %dma_wait3A_549 = arith.constant 0 : i32
    %dma_wait3A_550 = arith.constant 0 : i32
    %dma_wait3A_551 = tpu.memref_slice %arg4[%add3A_543, %dma_wait3A_549, %dma_wait3A_550] : memref<4096x200x64xf32, #tpu.memory_space<hbm>> -> memref<1x200x64xf32, #tpu.memory_space<hbm>>
    %dma_wait3A_552 = tpu.memref_squeeze %dma_wait3A_551 : memref<1x200x64xf32, #tpu.memory_space<hbm>> -> memref<200x64xf32, #tpu.memory_space<hbm>>
    %dma_wait3A_553 = arith.constant 0 : i32
    %dma_wait3A_554 = arith.constant 0 : i32
    %dma_wait3A_555 = tpu.memref_slice %arg4[%add3A_543, %dma_wait3A_553, %dma_wait3A_554] : memref<4096x200x64xf32, #tpu.memory_space<hbm>> -> memref<1x200x64xf32, #tpu.memory_space<hbm>>
    %dma_wait3A_556 = tpu.memref_squeeze %dma_wait3A_555 : memref<1x200x64xf32, #tpu.memory_space<hbm>> -> memref<200x64xf32, #tpu.memory_space<hbm>>
    %dma_wait3A_557 = arith.constant 0 : i32
    %dma_wait3A_558 = arith.constant 0 : i32
    %dma_wait3A_559 = tpu.memref_slice %arg6[%dma_wait3A_544, %dma_wait3A_557, %dma_wait3A_558] : memref<8x200x64xf32, #tpu.memory_space<vmem>> -> memref<1x200x64xf32, #tpu.memory_space<vmem>>
    %dma_wait3A_560 = tpu.memref_squeeze %dma_wait3A_559 : memref<1x200x64xf32, #tpu.memory_space<vmem>> -> memref<200x64xf32, #tpu.memory_space<vmem>>
    tpu.wait_dma2 semaphore(%arg8 : memref<!tpu.dma_semaphore, #tpu.memory_space<semaphore_mem>>) src(%dma_wait3A_560 : memref<200x64xf32, #tpu.memory_space<vmem>>) dst(%dma_wait3A_556 : memref<200x64xf32, #tpu.memory_space<hbm>>)
    %add3A_561 = arith.constant 121 : i32
    %add3A_562 = arith.addi %multiple_of3A, %add3A_561 : i32
    %dma_wait3A_563 = arith.constant 1 : i32
    %dma_wait3A_564 = arith.constant 0 : i32
    %dma_wait3A_565 = arith.constant 0 : i32
    %dma_wait3A_566 = tpu.memref_slice %arg6[%dma_wait3A_563, %dma_wait3A_564, %dma_wait3A_565] : memref<8x200x64xf32, #tpu.memory_space<vmem>> -> memref<1x200x64xf32, #tpu.memory_space<vmem>>
    %dma_wait3A_567 = tpu.memref_squeeze %dma_wait3A_566 : memref<1x200x64xf32, #tpu.memory_space<vmem>> -> memref<200x64xf32, #tpu.memory_space<vmem>>
    %dma_wait3A_568 = arith.constant 0 : i32
    %dma_wait3A_569 = arith.constant 0 : i32
    %dma_wait3A_570 = tpu.memref_slice %arg4[%add3A_562, %dma_wait3A_568, %dma_wait3A_569] : memref<4096x200x64xf32, #tpu.memory_space<hbm>> -> memref<1x200x64xf32, #tpu.memory_space<hbm>>
    %dma_wait3A_571 = tpu.memref_squeeze %dma_wait3A_570 : memref<1x200x64xf32, #tpu.memory_space<hbm>> -> memref<200x64xf32, #tpu.memory_space<hbm>>
    %dma_wait3A_572 = arith.constant 0 : i32
    %dma_wait3A_573 = arith.constant 0 : i32
    %dma_wait3A_574 = tpu.memref_slice %arg4[%add3A_562, %dma_wait3A_572, %dma_wait3A_573] : memref<4096x200x64xf32, #tpu.memory_space<hbm>> -> memref<1x200x64xf32, #tpu.memory_space<hbm>>
    %dma_wait3A_575 = tpu.memref_squeeze %dma_wait3A_574 : memref<1x200x64xf32, #tpu.memory_space<hbm>> -> memref<200x64xf32, #tpu.memory_space<hbm>>
    %dma_wait3A_576 = arith.constant 0 : i32
    %dma_wait3A_577 = arith.constant 0 : i32
    %dma_wait3A_578 = tpu.memref_slice %arg6[%dma_wait3A_563, %dma_wait3A_576, %dma_wait3A_577] : memref<8x200x64xf32, #tpu.memory_space<vmem>> -> memref<1x200x64xf32, #tpu.memory_space<vmem>>
    %dma_wait3A_579 = tpu.memref_squeeze %dma_wait3A_578 : memref<1x200x64xf32, #tpu.memory_space<vmem>> -> memref<200x64xf32, #tpu.memory_space<vmem>>
    tpu.wait_dma2 semaphore(%arg8 : memref<!tpu.dma_semaphore, #tpu.memory_space<semaphore_mem>>) src(%dma_wait3A_579 : memref<200x64xf32, #tpu.memory_space<vmem>>) dst(%dma_wait3A_575 : memref<200x64xf32, #tpu.memory_space<hbm>>)
    %add3A_580 = arith.constant 122 : i32
    %add3A_581 = arith.addi %multiple_of3A, %add3A_580 : i32
    %dma_wait3A_582 = arith.constant 2 : i32
    %dma_wait3A_583 = arith.constant 0 : i32
    %dma_wait3A_584 = arith.constant 0 : i32
    %dma_wait3A_585 = tpu.memref_slice %arg6[%dma_wait3A_582, %dma_wait3A_583, %dma_wait3A_584] : memref<8x200x64xf32, #tpu.memory_space<vmem>> -> memref<1x200x64xf32, #tpu.memory_space<vmem>>
    %dma_wait3A_586 = tpu.memref_squeeze %dma_wait3A_585 : memref<1x200x64xf32, #tpu.memory_space<vmem>> -> memref<200x64xf32, #tpu.memory_space<vmem>>
    %dma_wait3A_587 = arith.constant 0 : i32
    %dma_wait3A_588 = arith.constant 0 : i32
    %dma_wait3A_589 = tpu.memref_slice %arg4[%add3A_581, %dma_wait3A_587, %dma_wait3A_588] : memref<4096x200x64xf32, #tpu.memory_space<hbm>> -> memref<1x200x64xf32, #tpu.memory_space<hbm>>
    %dma_wait3A_590 = tpu.memref_squeeze %dma_wait3A_589 : memref<1x200x64xf32, #tpu.memory_space<hbm>> -> memref<200x64xf32, #tpu.memory_space<hbm>>
    %dma_wait3A_591 = arith.constant 0 : i32
    %dma_wait3A_592 = arith.constant 0 : i32
    %dma_wait3A_593 = tpu.memref_slice %arg4[%add3A_581, %dma_wait3A_591, %dma_wait3A_592] : memref<4096x200x64xf32, #tpu.memory_space<hbm>> -> memref<1x200x64xf32, #tpu.memory_space<hbm>>
    %dma_wait3A_594 = tpu.memref_squeeze %dma_wait3A_593 : memref<1x200x64xf32, #tpu.memory_space<hbm>> -> memref<200x64xf32, #tpu.memory_space<hbm>>
    %dma_wait3A_595 = arith.constant 0 : i32
    %dma_wait3A_596 = arith.constant 0 : i32
    %dma_wait3A_597 = tpu.memref_slice %arg6[%dma_wait3A_582, %dma_wait3A_595, %dma_wait3A_596] : memref<8x200x64xf32, #tpu.memory_space<vmem>> -> memref<1x200x64xf32, #tpu.memory_space<vmem>>
    %dma_wait3A_598 = tpu.memref_squeeze %dma_wait3A_597 : memref<1x200x64xf32, #tpu.memory_space<vmem>> -> memref<200x64xf32, #tpu.memory_space<vmem>>
    tpu.wait_dma2 semaphore(%arg8 : memref<!tpu.dma_semaphore, #tpu.memory_space<semaphore_mem>>) src(%dma_wait3A_598 : memref<200x64xf32, #tpu.memory_space<vmem>>) dst(%dma_wait3A_594 : memref<200x64xf32, #tpu.memory_space<hbm>>)
    %add3A_599 = arith.constant 123 : i32
    %add3A_600 = arith.addi %multiple_of3A, %add3A_599 : i32
    %dma_wait3A_601 = arith.constant 3 : i32
    %dma_wait3A_602 = arith.constant 0 : i32
    %dma_wait3A_603 = arith.constant 0 : i32
    %dma_wait3A_604 = tpu.memref_slice %arg6[%dma_wait3A_601, %dma_wait3A_602, %dma_wait3A_603] : memref<8x200x64xf32, #tpu.memory_space<vmem>> -> memref<1x200x64xf32, #tpu.memory_space<vmem>>
    %dma_wait3A_605 = tpu.memref_squeeze %dma_wait3A_604 : memref<1x200x64xf32, #tpu.memory_space<vmem>> -> memref<200x64xf32, #tpu.memory_space<vmem>>
    %dma_wait3A_606 = arith.constant 0 : i32
    %dma_wait3A_607 = arith.constant 0 : i32
    %dma_wait3A_608 = tpu.memref_slice %arg4[%add3A_600, %dma_wait3A_606, %dma_wait3A_607] : memref<4096x200x64xf32, #tpu.memory_space<hbm>> -> memref<1x200x64xf32, #tpu.memory_space<hbm>>
    %dma_wait3A_609 = tpu.memref_squeeze %dma_wait3A_608 : memref<1x200x64xf32, #tpu.memory_space<hbm>> -> memref<200x64xf32, #tpu.memory_space<hbm>>
    %dma_wait3A_610 = arith.constant 0 : i32
    %dma_wait3A_611 = arith.constant 0 : i32
    %dma_wait3A_612 = tpu.memref_slice %arg4[%add3A_600, %dma_wait3A_610, %dma_wait3A_611] : memref<4096x200x64xf32, #tpu.memory_space<hbm>> -> memref<1x200x64xf32, #tpu.memory_space<hbm>>
    %dma_wait3A_613 = tpu.memref_squeeze %dma_wait3A_612 : memref<1x200x64xf32, #tpu.memory_space<hbm>> -> memref<200x64xf32, #tpu.memory_space<hbm>>
    %dma_wait3A_614 = arith.constant 0 : i32
    %dma_wait3A_615 = arith.constant 0 : i32
    %dma_wait3A_616 = tpu.memref_slice %arg6[%dma_wait3A_601, %dma_wait3A_614, %dma_wait3A_615] : memref<8x200x64xf32, #tpu.memory_space<vmem>> -> memref<1x200x64xf32, #tpu.memory_space<vmem>>
    %dma_wait3A_617 = tpu.memref_squeeze %dma_wait3A_616 : memref<1x200x64xf32, #tpu.memory_space<vmem>> -> memref<200x64xf32, #tpu.memory_space<vmem>>
    tpu.wait_dma2 semaphore(%arg8 : memref<!tpu.dma_semaphore, #tpu.memory_space<semaphore_mem>>) src(%dma_wait3A_617 : memref<200x64xf32, #tpu.memory_space<vmem>>) dst(%dma_wait3A_613 : memref<200x64xf32, #tpu.memory_space<hbm>>)
    %add3A_618 = arith.constant 124 : i32
    %add3A_619 = arith.addi %multiple_of3A, %add3A_618 : i32
    %dma_wait3A_620 = arith.constant 4 : i32
    %dma_wait3A_621 = arith.constant 0 : i32
    %dma_wait3A_622 = arith.constant 0 : i32
    %dma_wait3A_623 = tpu.memref_slice %arg6[%dma_wait3A_620, %dma_wait3A_621, %dma_wait3A_622] : memref<8x200x64xf32, #tpu.memory_space<vmem>> -> memref<1x200x64xf32, #tpu.memory_space<vmem>>
    %dma_wait3A_624 = tpu.memref_squeeze %dma_wait3A_623 : memref<1x200x64xf32, #tpu.memory_space<vmem>> -> memref<200x64xf32, #tpu.memory_space<vmem>>
    %dma_wait3A_625 = arith.constant 0 : i32
    %dma_wait3A_626 = arith.constant 0 : i32
    %dma_wait3A_627 = tpu.memref_slice %arg4[%add3A_619, %dma_wait3A_625, %dma_wait3A_626] : memref<4096x200x64xf32, #tpu.memory_space<hbm>> -> memref<1x200x64xf32, #tpu.memory_space<hbm>>
    %dma_wait3A_628 = tpu.memref_squeeze %dma_wait3A_627 : memref<1x200x64xf32, #tpu.memory_space<hbm>> -> memref<200x64xf32, #tpu.memory_space<hbm>>
    %dma_wait3A_629 = arith.constant 0 : i32
    %dma_wait3A_630 = arith.constant 0 : i32
    %dma_wait3A_631 = tpu.memref_slice %arg4[%add3A_619, %dma_wait3A_629, %dma_wait3A_630] : memref<4096x200x64xf32, #tpu.memory_space<hbm>> -> memref<1x200x64xf32, #tpu.memory_space<hbm>>
    %dma_wait3A_632 = tpu.memref_squeeze %dma_wait3A_631 : memref<1x200x64xf32, #tpu.memory_space<hbm>> -> memref<200x64xf32, #tpu.memory_space<hbm>>
    %dma_wait3A_633 = arith.constant 0 : i32
    %dma_wait3A_634 = arith.constant 0 : i32
    %dma_wait3A_635 = tpu.memref_slice %arg6[%dma_wait3A_620, %dma_wait3A_633, %dma_wait3A_634] : memref<8x200x64xf32, #tpu.memory_space<vmem>> -> memref<1x200x64xf32, #tpu.memory_space<vmem>>
    %dma_wait3A_636 = tpu.memref_squeeze %dma_wait3A_635 : memref<1x200x64xf32, #tpu.memory_space<vmem>> -> memref<200x64xf32, #tpu.memory_space<vmem>>
    tpu.wait_dma2 semaphore(%arg8 : memref<!tpu.dma_semaphore, #tpu.memory_space<semaphore_mem>>) src(%dma_wait3A_636 : memref<200x64xf32, #tpu.memory_space<vmem>>) dst(%dma_wait3A_632 : memref<200x64xf32, #tpu.memory_space<hbm>>)
    %add3A_637 = arith.constant 125 : i32
    %add3A_638 = arith.addi %multiple_of3A, %add3A_637 : i32
    %dma_wait3A_639 = arith.constant 5 : i32
    %dma_wait3A_640 = arith.constant 0 : i32
    %dma_wait3A_641 = arith.constant 0 : i32
    %dma_wait3A_642 = tpu.memref_slice %arg6[%dma_wait3A_639, %dma_wait3A_640, %dma_wait3A_641] : memref<8x200x64xf32, #tpu.memory_space<vmem>> -> memref<1x200x64xf32, #tpu.memory_space<vmem>>
    %dma_wait3A_643 = tpu.memref_squeeze %dma_wait3A_642 : memref<1x200x64xf32, #tpu.memory_space<vmem>> -> memref<200x64xf32, #tpu.memory_space<vmem>>
    %dma_wait3A_644 = arith.constant 0 : i32
    %dma_wait3A_645 = arith.constant 0 : i32
    %dma_wait3A_646 = tpu.memref_slice %arg4[%add3A_638, %dma_wait3A_644, %dma_wait3A_645] : memref<4096x200x64xf32, #tpu.memory_space<hbm>> -> memref<1x200x64xf32, #tpu.memory_space<hbm>>
    %dma_wait3A_647 = tpu.memref_squeeze %dma_wait3A_646 : memref<1x200x64xf32, #tpu.memory_space<hbm>> -> memref<200x64xf32, #tpu.memory_space<hbm>>
    %dma_wait3A_648 = arith.constant 0 : i32
    %dma_wait3A_649 = arith.constant 0 : i32
    %dma_wait3A_650 = tpu.memref_slice %arg4[%add3A_638, %dma_wait3A_648, %dma_wait3A_649] : memref<4096x200x64xf32, #tpu.memory_space<hbm>> -> memref<1x200x64xf32, #tpu.memory_space<hbm>>
    %dma_wait3A_651 = tpu.memref_squeeze %dma_wait3A_650 : memref<1x200x64xf32, #tpu.memory_space<hbm>> -> memref<200x64xf32, #tpu.memory_space<hbm>>
    %dma_wait3A_652 = arith.constant 0 : i32
    %dma_wait3A_653 = arith.constant 0 : i32
    %dma_wait3A_654 = tpu.memref_slice %arg6[%dma_wait3A_639, %dma_wait3A_652, %dma_wait3A_653] : memref<8x200x64xf32, #tpu.memory_space<vmem>> -> memref<1x200x64xf32, #tpu.memory_space<vmem>>
    %dma_wait3A_655 = tpu.memref_squeeze %dma_wait3A_654 : memref<1x200x64xf32, #tpu.memory_space<vmem>> -> memref<200x64xf32, #tpu.memory_space<vmem>>
    tpu.wait_dma2 semaphore(%arg8 : memref<!tpu.dma_semaphore, #tpu.memory_space<semaphore_mem>>) src(%dma_wait3A_655 : memref<200x64xf32, #tpu.memory_space<vmem>>) dst(%dma_wait3A_651 : memref<200x64xf32, #tpu.memory_space<hbm>>)
    %add3A_656 = arith.constant 126 : i32
    %add3A_657 = arith.addi %multiple_of3A, %add3A_656 : i32
    %dma_wait3A_658 = arith.constant 6 : i32
    %dma_wait3A_659 = arith.constant 0 : i32
    %dma_wait3A_660 = arith.constant 0 : i32
    %dma_wait3A_661 = tpu.memref_slice %arg6[%dma_wait3A_658, %dma_wait3A_659, %dma_wait3A_660] : memref<8x200x64xf32, #tpu.memory_space<vmem>> -> memref<1x200x64xf32, #tpu.memory_space<vmem>>
    %dma_wait3A_662 = tpu.memref_squeeze %dma_wait3A_661 : memref<1x200x64xf32, #tpu.memory_space<vmem>> -> memref<200x64xf32, #tpu.memory_space<vmem>>
    %dma_wait3A_663 = arith.constant 0 : i32
    %dma_wait3A_664 = arith.constant 0 : i32
    %dma_wait3A_665 = tpu.memref_slice %arg4[%add3A_657, %dma_wait3A_663, %dma_wait3A_664] : memref<4096x200x64xf32, #tpu.memory_space<hbm>> -> memref<1x200x64xf32, #tpu.memory_space<hbm>>
    %dma_wait3A_666 = tpu.memref_squeeze %dma_wait3A_665 : memref<1x200x64xf32, #tpu.memory_space<hbm>> -> memref<200x64xf32, #tpu.memory_space<hbm>>
    %dma_wait3A_667 = arith.constant 0 : i32
    %dma_wait3A_668 = arith.constant 0 : i32
    %dma_wait3A_669 = tpu.memref_slice %arg4[%add3A_657, %dma_wait3A_667, %dma_wait3A_668] : memref<4096x200x64xf32, #tpu.memory_space<hbm>> -> memref<1x200x64xf32, #tpu.memory_space<hbm>>
    %dma_wait3A_670 = tpu.memref_squeeze %dma_wait3A_669 : memref<1x200x64xf32, #tpu.memory_space<hbm>> -> memref<200x64xf32, #tpu.memory_space<hbm>>
    %dma_wait3A_671 = arith.constant 0 : i32
    %dma_wait3A_672 = arith.constant 0 : i32
    %dma_wait3A_673 = tpu.memref_slice %arg6[%dma_wait3A_658, %dma_wait3A_671, %dma_wait3A_672] : memref<8x200x64xf32, #tpu.memory_space<vmem>> -> memref<1x200x64xf32, #tpu.memory_space<vmem>>
    %dma_wait3A_674 = tpu.memref_squeeze %dma_wait3A_673 : memref<1x200x64xf32, #tpu.memory_space<vmem>> -> memref<200x64xf32, #tpu.memory_space<vmem>>
    tpu.wait_dma2 semaphore(%arg8 : memref<!tpu.dma_semaphore, #tpu.memory_space<semaphore_mem>>) src(%dma_wait3A_674 : memref<200x64xf32, #tpu.memory_space<vmem>>) dst(%dma_wait3A_670 : memref<200x64xf32, #tpu.memory_space<hbm>>)
    %add3A_675 = arith.constant 127 : i32
    %add3A_676 = arith.addi %multiple_of3A, %add3A_675 : i32
    %dma_wait3A_677 = arith.constant 7 : i32
    %dma_wait3A_678 = arith.constant 0 : i32
    %dma_wait3A_679 = arith.constant 0 : i32
    %dma_wait3A_680 = tpu.memref_slice %arg6[%dma_wait3A_677, %dma_wait3A_678, %dma_wait3A_679] : memref<8x200x64xf32, #tpu.memory_space<vmem>> -> memref<1x200x64xf32, #tpu.memory_space<vmem>>
    %dma_wait3A_681 = tpu.memref_squeeze %dma_wait3A_680 : memref<1x200x64xf32, #tpu.memory_space<vmem>> -> memref<200x64xf32, #tpu.memory_space<vmem>>
    %dma_wait3A_682 = arith.constant 0 : i32
    %dma_wait3A_683 = arith.constant 0 : i32
    %dma_wait3A_684 = tpu.memref_slice %arg4[%add3A_676, %dma_wait3A_682, %dma_wait3A_683] : memref<4096x200x64xf32, #tpu.memory_space<hbm>> -> memref<1x200x64xf32, #tpu.memory_space<hbm>>
    %dma_wait3A_685 = tpu.memref_squeeze %dma_wait3A_684 : memref<1x200x64xf32, #tpu.memory_space<hbm>> -> memref<200x64xf32, #tpu.memory_space<hbm>>
    %dma_wait3A_686 = arith.constant 0 : i32
    %dma_wait3A_687 = arith.constant 0 : i32
    %dma_wait3A_688 = tpu.memref_slice %arg4[%add3A_676, %dma_wait3A_686, %dma_wait3A_687] : memref<4096x200x64xf32, #tpu.memory_space<hbm>> -> memref<1x200x64xf32, #tpu.memory_space<hbm>>
    %dma_wait3A_689 = tpu.memref_squeeze %dma_wait3A_688 : memref<1x200x64xf32, #tpu.memory_space<hbm>> -> memref<200x64xf32, #tpu.memory_space<hbm>>
    %dma_wait3A_690 = arith.constant 0 : i32
    %dma_wait3A_691 = arith.constant 0 : i32
    %dma_wait3A_692 = tpu.memref_slice %arg6[%dma_wait3A_677, %dma_wait3A_690, %dma_wait3A_691] : memref<8x200x64xf32, #tpu.memory_space<vmem>> -> memref<1x200x64xf32, #tpu.memory_space<vmem>>
    %dma_wait3A_693 = tpu.memref_squeeze %dma_wait3A_692 : memref<1x200x64xf32, #tpu.memory_space<vmem>> -> memref<200x64xf32, #tpu.memory_space<vmem>>
    tpu.wait_dma2 semaphore(%arg8 : memref<!tpu.dma_semaphore, #tpu.memory_space<semaphore_mem>>) src(%dma_wait3A_693 : memref<200x64xf32, #tpu.memory_space<vmem>>) dst(%dma_wait3A_689 : memref<200x64xf32, #tpu.memory_space<hbm>>)
    return
  }
}

</mosaic_0001>

<sc_bundles>
// kernel: kernel.3.cloned.1.call-start
scs
__scs_entry_jumppad:
0x0: {  	(pc) =	sbr.rel $0x88, $3  }
0x1: {  	(tag) =	ssettag $0x0;
	lr =	simm.s32 $0x1  }
0x2: {  	[smem:$0x3F9F] =	sst lr;
	_ =	strace $0xD0000000  }
0x3: {  	_ = 	snop  }
0x4: {  	_ = 	snop  }
0x5: {  	_ = 	snop  }
0x6: {  	_ = 	snop  }
0x7: {  	_ = 	snop  }
__scs_overlays_trampoline_lowered:
0x8: {  	[smem:$0x3FAE] =	sst s0  }
0x9: {  	[smem:$0x3FAF] =	sst s1  }
0xa: {  	[smem:$0x3FB0] =	sst s2  }
0xb: {  	[smem:$0x3FB1] =	sst s3  }
0xc: {  	[smem:$0x3FB2] =	sst s4  }
0xd: {  	[smem:$0x3FB3] =	sst s5  }
0xe: {  	[smem:$0x3FB4] =	sst s6  }
0xf: {  	[smem:$0x3FB5] =	sst s7  }
0x10: {  	[smem:$0x3FB6] =	sst s8  }
0x11: {  	[smem:$0x3FB7] =	sst s9;
	s0 =	simm.s32 @!p0 $0x0  }
0x12: {  	s1 =	sld [smem:$0x3F9D];
	s0 =	simm.s32 @p0 $0x1  }
0x13: {  	[smem:$0x3FB8] =	sst s0;
	s0 =	simm.s32 @!p1 $0x0  }
0x14: {  	s2 =	sld [smem:$0x3F9C];
	s0 =	simm.s32 @p1 $0x1  }
0x15: {  	[smem:$0x3FB9] =	sst s0;
	s0 =	simm.s32 @!p2 $0x0  }
0x16: {  	s3 =	sld [smem:$0x3FDB];
	s0 =	simm.s32 @p2 $0x1  }
0x17: {  	s4 =	simm.s32 $0x1BF5;
	[smem:$0x3FBB] =	sst s0  }
0x18: {  	s0 =	sld [smem:$0x3F9E];
	_ =	swait.ge [sflag:s4], $0x0  }
0x19: {  	s7 =	sld [smem:$0x3F9F]  }
0x1a: {  	s8 =	sadd.s32 $0xFFFFE003, lr  }
0x1b: {  	s9 =	sadd.s32 $0xFFFFFEF7, lr;
	s5 =	simm.s32 $0xFFFFFFFF;
	p2 =	slt.u32 s8, $0xFFFFF086  }
0x1c: {  	p1 =	slt.u32 s9, $0xF7A;
	s5 =	simm.s32 @!p2 $0x0  }
0x1d: {  	s5 =	simm.s32 @p1 $0x1;
	p0 =	seq.s32 s7, s2  }
0x1e: {  	s7 =	smul.u32 @!p0 $0xF7A, s2;
	p2 =	seq.s32 @!p0 s5, $0x0  }
0x1f: {  	s9 =	smul.u32 $0xF7A, s1;
	s8 =	simm.s32 @!p0 $0x1BF5;
	p2 =	por !p2, p0  }
0x20: {  	[sflag:s8] =	ssyncset.s32 @!p0 $0xFFFFF086;
	s6 =	sadd.s32 @!p0 s3, s7;
	s7 =	simm.s32 @!p0 $0x108  }
0x21: {  	s3 =	sadd.s32 s3, s9;
	s6 =	sadd.s32 @!p0 $0x88, s6;
	s7 =	simm.s32 @p2 $0x1082  }
0x22: {  	[simem:s7], [sflag:s8] =	dma.local @!p0 [hbm:s6], $0xF7A  }
0x23: {  	s9 =	sor.u32 $0xD0000000, s2;
	s6 =	simm.s32 $0x108;
	_ =	swait.ge @!p0 [sflag:s8], $0x0  }
0x24: {  	s3 =	sadd.s32 $0x88, s3;
	s6 =	simm.s32 @!p1 $0x1082;
	[sflag:s4] =	ssyncset.s32 $0xFFFFF086  }
0x25: {  	[simem:s6], [sflag:s4] =	dma.local [hbm:s3], $0xF7A  }
0x26: {  	[smem:$0x3F9F] =	sst s1;
	(tag) =	ssettag s2;
	_ =	strace s9  }
0x27: {  	s1 =	sld [smem:$0x3FAF]  }
0x28: {  	s2 =	sld [smem:$0x3FB0]  }
0x29: {  	s4 =	sld [smem:$0x3FB2]  }
0x2a: {  	p0 =	seq.s32 s5, $0x0;
	s5 =	sld [smem:$0x3FB3]  }
0x2b: {  	s6 =	sld [smem:$0x3FB4]  }
0x2c: {  	s7 =	sld [smem:$0x3FB5]  }
0x2d: {  	s3 =	simm.s32 $0x108;
	s8 =	sld [smem:$0x3FB6]  }
0x2e: {  	s3 =	simm.s32 @!p0 $0x1082;
	s9 =	sld [smem:$0x3FB7]  }
0x2f: {  	lr =	sadd.s32 s0, s3;
	s0 =	sld [smem:$0x3FAE]  }
0x30: {  	s3 =	sld [smem:$0x3FB1]  }
0x31: {  	[smem:$0x3FBA] =	sst s10  }
0x32: {  	s10 =	sld [smem:$0x3FB8];
	_ =	sdelay $0x3  }
0x33: {  	p0 =	seq.s32 s10, $0x1;
	s10 =	sld [smem:$0x3FBA];
	_ =	sdelay $0x3  }
0x34: {  	[smem:$0x3FBA] =	sst s10  }
0x35: {  	s10 =	sld [smem:$0x3FB9];
	_ =	sdelay $0x3  }
0x36: {  	p1 =	seq.s32 s10, $0x1;
	s10 =	sld [smem:$0x3FBA];
	_ =	sdelay $0x3  }
0x37: {  	[smem:$0x3FBA] =	sst s10  }
0x38: {  	s10 =	sld [smem:$0x3FBB]  }
0x39: {  	_ = 	snop;
	(pc) =	sbr.ind lr, $3  }
0x3a: {  	_ = 	snop  }
0x3b: {  	_ = 	snop  }
0x3c: {  	p2 =	seq.s32 s10, $0x1;
	s10 =	sld [smem:$0x3FBA]  }
0x3d: {  	_ =	shalt  }
0x3e: {  	_ =	shalt  }
0x3f: {  	_ =	shalt  }
0x40: {  	_ =	shalt  }
0x41: {  	_ =	shalt  }
0x42: {  	_ =	shalt  }
0x43: {  	_ =	shalt  }
0x44: {  	_ =	shalt  }
0x45: {  	_ =	shalt  }
0x46: {  	_ =	shalt  }
0x47: {  	_ =	shalt  }
0x48: {  	_ =	shalt  }
0x49: {  	_ =	shalt  }
0x4a: {  	_ =	shalt  }
0x4b: {  	_ =	shalt  }
0x4c: {  	_ =	shalt  }
0x4d: {  	_ =	shalt  }
0x4e: {  	_ =	shalt  }
0x4f: {  	_ =	shalt  }
0x50: {  	_ =	shalt  }
0x51: {  	_ =	shalt  }
0x52: {  	_ =	shalt  }
0x53: {  	_ =	shalt  }
0x54: {  	_ =	shalt  }
0x55: {  	_ =	shalt  }
0x56: {  	_ =	shalt  }
0x57: {  	_ =	shalt  }
0x58: {  	_ =	shalt  }
0x59: {  	_ =	shalt  }
0x5a: {  	_ =	shalt  }
0x5b: {  	_ =	shalt  }
0x5c: {  	_ =	shalt  }
0x5d: {  	_ =	shalt  }
0x5e: {  	_ =	shalt  }
0x5f: {  	_ =	shalt  }
0x60: {  	_ =	shalt  }
0x61: {  	_ =	shalt  }
0x62: {  	_ =	shalt  }
0x63: {  	_ =	shalt  }
0x64: {  	_ =	shalt  }
0x65: {  	_ =	shalt  }
0x66: {  	_ =	shalt  }
0x67: {  	_ =	shalt  }
0x68: {  	_ =	shalt  }
0x69: {  	_ =	shalt  }
0x6a: {  	_ =	shalt  }
0x6b: {  	_ =	shalt  }
0x6c: {  	_ =	shalt  }
0x6d: {  	_ =	shalt  }
0x6e: {  	_ =	shalt  }
0x6f: {  	_ =	shalt  }
0x70: {  	_ =	shalt  }
0x71: {  	_ =	shalt  }
0x72: {  	_ =	shalt  }
0x73: {  	_ =	shalt  }
0x74: {  	_ =	shalt  }
0x75: {  	_ =	shalt  }
0x76: {  	_ =	shalt  }
0x77: {  	_ =	shalt  }
0x78: {  	_ =	shalt  }
0x79: {  	_ =	shalt  }
0x7a: {  	_ =	shalt  }
0x7b: {  	_ =	shalt  }
0x7c: {  	_ =	shalt  }
0x7d: {  	_ =	shalt  }
0x7e: {  	_ =	shalt  }
0x7f: {  	_ =	shalt  }
0x80: {  	_ =	shalt  }
0x81: {  	_ =	shalt  }
0x82: {  	_ =	shalt  }
0x83: {  	_ =	shalt  }
0x84: {  	_ =	shalt  }
0x85: {  	_ =	shalt  }
0x86: {  	_ =	shalt  }
0x87: {  	_ =	shalt  }
.Lfunc_end0:
.L_simem_size_0:
called_computation.1_lowered:
.L_overlay_start_0:
0x88: {  	s2 =	sld [smem:$0x3FD9]  }
0x89: {  	s3 =	sld [smem:$0x3FFE];
	_ =	sdelay $0x1  }
0x8a: {  	s1 =	srdreg.scid  }
0x8b: {  	s0 =	sand.u32 $0x1, s1  }
0x8c: {  	s17 =	sshll.u32 s0, $0xA;
	s2 =	sadd.s32 s3, s2  }
0x8d: {  	s2 =	sadd.s32 s2, s17  }
0x8e: {  	[smem:$0x3FC6] =	sst s2  }
0x8f: {  	_ = 	snop  }
0x90: {  	s2 =	sld [smem:$0x3FD0];
	(tm) =	ssettm $0x1  }
0x91: {  	s18 =	sld [smem:$0x3FFB];
	_ =	sdelay $0x3  }
0x92: {  	_ =	strace s18  }
0x93: {  	s3 =	sld [smem:$0x3FFC];
	_ =	sdelay $0x3  }
0x94: {  	_ =	strace s3  }
0x95: {  	s3 =	sld [smem:$0x3FFD];
	_ =	sdelay $0x3  }
0x96: {  	_ =	strace s3  }
0x97: {  	_ =	strace $0x8FFFFFFF  }
0x98: {  	s19 =	sld [smem:$0x3FDB];
	_ =	sdelay $0x1  }
0x99: {  	s4 =	simm.s32 $_scs_section_size  }
0x9a: {  	s5 =	simm.s32 $_size__tile_overlayer_lowered;
	s6 =	simm.s32 $_tile_overlayer_lowered  }
0x9b: {  	s22 =	simm.s32 $0x1BFF;
	s21 =	sshll.u32 s6, $0x1;
	s3 =	sadd.s32 s4, s19  }
0x9c: {  	s7 =	simm.s32 $0x0;
	s20 =	sshll.u32 s5, $0x1;
	s5 =	sadd.s32 s21, s3  }
0x9d: {  	[timem:s7], [sflag:s22] =	dma.local [hbm:s5], s20  }
0x9e: {  	_ =	swait.ge [sflag:s22], s20  }
0x9f: {  	s4 =	ssub.s32 $0x0, s20;
	[sflag:s22] =	ssyncset.done $0x0  }
0xa0: {  	[sflag:s22] =	ssyncadd.s32 s4;
	_ =	sdelay $0x1  }
0xa1: {  	s23 =	simm.s32 $0x1B8B  }
0xa2: {  	_ =	swait.ge [sflag:s23], $0x1  }
0xa3: {  	[sflag:s23] =	ssyncset.done $0x0  }
0xa4: {  	s25 =	simm.s32 $0x1B8E;
	s24 =	sld [smem:$0x3FFE];
	[sflag:s23] =	ssyncadd.s32 $0xFFFFFFFF  }
0xa5: {  	s26 =	simm.s32 $execute0_lowered;
	[smem:$0x3FD2] =	sst s25  }
0xa6: {  	s5 =	sshll.u32 s26, $0x1;
	_ =	strace $0x80000046;
	[dreg:$0x1] =	wrdreg $0xFFFFFFFF  }
0xa7: {  	s28 =	simm.s32 $_size_execute0_lowered;
	s3 =	sadd.s32 s3, s5;
	[dreg:$0x0] =	wrdreg $0x0  }
0xa8: {  	s5 =	sshll.u32 s28, $0x1;
	[dreg:$0x2] =	wrdreg s3  }
0xa9: {  	[dreg:$0x3] =	wrdreg s5  }
0xaa: {  	[dreg:$0x4] =	wrdreg $0xC0  }
0xab: {  	_ =	task [dreg:s7], $0x5FFFF  }
0xac: {  	[dreg:$0x1] =	wrdreg $0xFFFFFFFF  }
0xad: {  	[dreg:$0x0] =	wrdreg $0x60  }
0xae: {  	[dreg:$0x2] =	wrdreg s24  }
0xaf: {  	[dreg:$0x3] =	wrdreg s2  }
0xb0: {  	[dreg:$0x4] =	wrdreg $0x9  }
0xb1: {  	_ =	task.clear_ibuf [dreg:s7], $0x5FFFF;
	_ =	strace $0x90000046  }
0xb2: {  	s29 =	simm.s32 $0x9;
	_ =	strace $0x80000048  }
0xb3: {  	_ =	swait.ge [sflag:s29], $0x1  }
0xb4: {  	[sflag:s29] =	ssyncadd.s32 $0xFFFFFFFF  }
0xb5: {  	_ =	strace $0x90000048  }
0xb6: {  	_ =	sfence  }
0xb7: {  	s30 =	sld [smem:$0x0];
	_ =	sdelay $0x2  }
0xb8: {  	s31 =	sshll.u32 s1, $0xD;
	s1 =	sshrl.u32 s1, $0x2  }
0xb9: {  	s3 =	sand.u32 $0x4000, s31;
	s1 =	sadd.s32 s1, s30  }
0xba: {  	s0 =	sor.u32 s3, s0;
	s1 =	sshll.u32 s1, $0x11  }
0xbb: {  	s0 =	sor.u32 s1, s0  }
0xbc: {  	s0 =	sadd.s32 $0x8F2B, s0  }
0xbd: {  	[sflag:s0] =	ssyncadd.remote.s32 $0x1  }
0xbe: {  	_ =	sfence.sel $0xFFFF  }
0xbf: {  	[dreg:$0x0] =	wrdreg $0xFFFFFFFF;
	(pc) =	sbr.abs _section_cstart, $3  }
0xc0: {  	[dreg:$0x1] =	wrdreg $0xFFFFFFFF  }
0xc1: {  	_ =	task.clear_ibuf [dreg:s7], $0x2FFFF;
	_ =	strace $0x9FFFFFFF  }
0xc2: {  	(tm) =	ssettm $0x7FFFFFFF  }
0xc3: {  	_ =	shalt  }
tec
execute0_lowered:
.L_overlay_start_1:
0x0: {  	(tag) =	ssettag $0x1  }
0x1: {  	s0 =	srdreg.scid;
	s1 =	rddreg [dreg:$0x0]  }
0x2: {  	s10 =	stileid.u32;
	s4 =	rddreg [dreg:$0x1]  }
0x3: {  	s2 =	simm.s32 $0x0;
	s15 =	simm.s32 $0x3;
	s16 =	simm.s32 $0x80  }
0x4: {  	s17 =	simm.s32 $0x6400;
	s30 =	simm.s32 $0xFA00;
	s0 =	sand.u32 $0x1, s0  }
0x5: {  	s3 =	sshll.u32 s10, $0x8;
	s22 =	smul.u32 $0x64000, s10;
	s5 =	sshll.u32 s0, $0x7  }
0x6: {  	s7 =	ssub.s32 $0x2, s0;
	s0 =	smul.u32 $0x32000, s0;
	s5 =	sor.u32 s5, s3  }
0x7: {  	s31 =	simm.s32 $0x2;
	[smem:$0x7FF] =	sst s2;
	s3 =	smul.u32 $0x19, s5  }
0x8: {  	_ =	strace $0x80000047;
	s18 =	sshrl.u32 s7, $0x1;
	s8 =	smul.u32 $0x640, s5  }
0x9: {  	s9 =	smul.u32 $0x3200, s5;
	s6 =	sadd.s32 s3, s1;
	s3 =	sadd.s32 $0xF42E00, s1  }
0xa: {  	s1 =	ssub.s32 s7, s18;
	s5 =	sadd.s32 s4, s8;
	s19 =	sadd.s32 $0xA00, s6  }
0xb: {  	s21 =	sshrl.u32 s9, $0x3;
	s20 =	sadd.s32 $0x640, s5;
	[dreg:$0x3] =	wrdreg s19  }
0xc: {  	s8 =	sadd.s32 $0xC80, s5;
	s6 =	sadd.s32 s4, s21;
	[dreg:$0x4] =	wrdreg s20  }
0xd: {  	s18 =	simm.s32 $0x48;
	[dreg:$0x5] =	wrdreg s8;
	s23 =	sadd.s32 $0x300C0, s6  }
0xe: {  	s4 =	sadd.s32 s22, s4;
	s24 =	sadd.s32 $0x30700, s6;
	[dreg:$0x6] =	wrdreg s23  }
0xf: {  	s13 =	smax.u32 s1, $0x1;
	s25 =	sadd.s32 $0x30D40, s6;
	[dreg:$0x7] =	wrdreg s24  }
0x10: {  	s21 =	simm.s32 $0x9600;
	s26 =	sadd.s32 $0x31380, s6;
	[dreg:$0x8] =	wrdreg s25  }
0x11: {  	s1 =	simm.s32 $0x19000;
	s29 =	sadd.s32 $0x319C0, s6;
	[dreg:$0x9] =	wrdreg s26  }
0x12: {  	s0 =	sadd.s32 s0, s4;
	s19 =	simm.s32 $0x12C00;
	[dreg:$0xa] =	wrdreg s29  }
0x13: {  	s28 =	sadd.s32 $0x12C0, s0;
	s25 =	simm.s32 $0xC800;
	s23 =	simm.s32 $0x1  }
0x14: {  	s26 =	simm.s32 $0x15E00;
	s24 =	simm.s32 $0x1C200;
	s0 =	simm.s32 $0x0  }
.LBB2_1:
0x15: {  	s4 =	rddreg [dreg:$0x3]  }
0x16: {  	[tilespmem:s2], [sflag:$0x3] =	stream.linear.gather [hbm4b:s4+s2], $0x6400, $0x38;
	[tilespmem:$0x1F400] =	vst v63  }
0x17: {  	_ =	swait.ge [sflag:s15], $0x6400  }
0x18: {  	[sflag:s15] =	ssyncset.done $0x0  }
0x19: {  	[sflag:s15] =	ssyncadd.s32 $0xFFFF9C00  }
0x1a: {  	[tilespmem:s17], [sflag:$0x1] =	stream.indirect.gather [hbm4b:s3+s16], $0x40, s2, s16, $0xb8;
	[tilespmem:$0x1F400] =	vst v63  }
0x1b: {  	s10 =	simm.s32 $0x8400  }
0x1c: {  	[tilespmem:s10], [sflag:$0x1] =	stream.indirect.gather [hbm4b:s3+s18], $0x40, s16, s18, $0xb8;
	[tilespmem:$0x1F400] =	vst v63  }
0x1d: {  	s11 =	simm.s32 $0xC8  }
0x1e: {  	[tilespmem:s21], [sflag:$0x1] =	stream.indirect.gather [hbm4b:s3+s16], $0x40, s11, s16, $0xb8;
	[tilespmem:$0x1F400] =	vst v63  }
0x1f: {  	s12 =	simm.s32 $0x148;
	s6 =	simm.s32 $0xB600  }
0x20: {  	[tilespmem:s6], [sflag:$0x1] =	stream.indirect.gather [hbm4b:s3+s18], $0x40, s12, s18, $0xb8;
	[tilespmem:$0x1F400] =	vst v63  }
0x21: {  	s14 =	simm.s32 $0x190  }
0x22: {  	[tilespmem:s25], [sflag:$0x1] =	stream.indirect.gather [hbm4b:s3+s16], $0x40, s14, s16, $0xb8;
	[tilespmem:$0x1F400] =	vst v63  }
0x23: {  	s20 =	simm.s32 $0x210;
	s22 =	simm.s32 $0xE800  }
0x24: {  	[tilespmem:s22], [sflag:$0x1] =	stream.indirect.gather [hbm4b:s3+s18], $0x40, s20, s18, $0xb8;
	[tilespmem:$0x1F400] =	vst v63  }
0x25: {  	s7 =	simm.s32 $0x258  }
0x26: {  	[tilespmem:s30], [sflag:$0x1] =	stream.indirect.gather [hbm4b:s3+s16], $0x40, s7, s16, $0xb8;
	[tilespmem:$0x1F400] =	vst v63  }
0x27: {  	s8 =	simm.s32 $0x2D8;
	s9 =	simm.s32 $0x11A00  }
0x28: {  	[tilespmem:s9], [sflag:$0x1] =	stream.indirect.gather [hbm4b:s3+s18], $0x40, s8, s18, $0xb8;
	[tilespmem:$0x1F400] =	vst v63  }
0x29: {  	s10 =	simm.s32 $0x320  }
0x2a: {  	[tilespmem:s19], [sflag:$0x1] =	stream.indirect.gather [hbm4b:s3+s16], $0x40, s10, s16, $0xb8;
	[tilespmem:$0x1F400] =	vst v63  }
0x2b: {  	s11 =	simm.s32 $0x3A0;
	s12 =	simm.s32 $0x14C00  }
0x2c: {  	[tilespmem:s12], [sflag:$0x1] =	stream.indirect.gather [hbm4b:s3+s18], $0x40, s11, s18, $0xb8;
	[tilespmem:$0x1F400] =	vst v63  }
0x2d: {  	_ =	swait.ge [sflag:s23], $0x2000  }
0x2e: {  	[sflag:s23] =	ssyncset.done $0x0  }
0x2f: {  	[sflag:s23] =	ssyncadd.s32 $0xFFFFE000  }
0x30: {  	_ =	swait.ge [sflag:s23], $0x1200  }
0x31: {  	[sflag:s23] =	ssyncset.done $0x0  }
0x32: {  	[sflag:s23] =	ssyncadd.s32 $0xFFFFEE00  }
0x33: {  	[hbm4b:s5+s2] =	stream.linear.scatter [tilespmem:s17], [sflag:$0x2], $0x3200, $0x38;
	[tilespmem:$0x1F400] =	vst v63  }
0x34: {  	s14 =	simm.s32 $0x3E8  }
0x35: {  	[tilespmem:s26], [sflag:$0x1] =	stream.indirect.gather [hbm4b:s3+s16], $0x40, s14, s16, $0xb8;
	[tilespmem:$0x1F400] =	vst v63  }
0x36: {  	s20 =	simm.s32 $0x468;
	s22 =	simm.s32 $0x17E00  }
0x37: {  	[tilespmem:s22], [sflag:$0x1] =	stream.indirect.gather [hbm4b:s3+s18], $0x40, s20, s18, $0xb8;
	[tilespmem:$0x1F400] =	vst v63  }
0x38: {  	_ =	swait.ge [sflag:s23], $0x2000  }
0x39: {  	[sflag:s23] =	ssyncset.done $0x0  }
0x3a: {  	[sflag:s23] =	ssyncadd.s32 $0xFFFFE000  }
0x3b: {  	_ =	swait.ge [sflag:s23], $0x1200  }
0x3c: {  	[sflag:s23] =	ssyncset.done $0x0  }
0x3d: {  	s7 =	rddreg [dreg:$0x4];
	[sflag:s23] =	ssyncadd.s32 $0xFFFFEE00  }
0x3e: {  	[hbm4b:s7+s2] =	stream.linear.scatter [tilespmem:s21], [sflag:$0x2], $0x3200, $0x38;
	[tilespmem:$0x1F400] =	vst v63  }
0x3f: {  	s8 =	simm.s32 $0x4B0  }
0x40: {  	[tilespmem:s1], [sflag:$0x1] =	stream.indirect.gather [hbm4b:s3+s16], $0x40, s8, s16, $0xb8;
	[tilespmem:$0x1F400] =	vst v63  }
0x41: {  	s9 =	simm.s32 $0x530;
	s10 =	simm.s32 $0x1B000  }
0x42: {  	[tilespmem:s10], [sflag:$0x1] =	stream.indirect.gather [hbm4b:s3+s18], $0x40, s9, s18, $0xb8;
	[tilespmem:$0x1F400] =	vst v63  }
0x43: {  	s22 =	simm.s32 $0x0;
	_ =	swait.ge [sflag:s23], $0x2000  }
0x44: {  	s4 =	sand.u32 $0x7, s22;
	[sflag:s23] =	ssyncset.done $0x0  }
0x45: {  	s4 =	sadd.s32 $0x3, s4;
	[sflag:s23] =	ssyncadd.s32 $0xFFFFE000  }
0x46: {  	s29 =	simm.s32 $0x640;
	s4 =	sand.u32 $0xF8, s4;
	_ =	swait.ge [sflag:s23], $0x1200  }
0x47: {  	s12 =	simm.s32 $0x578;
	s4 =	ssub.s32 $0x3, s4;
	[sflag:s23] =	ssyncset.done $0x0  }
0x48: {  	s4 =	sshll.u32 s4, $0x18;
	s11 =	rddreg [dreg:$0x5];
	[sflag:s23] =	ssyncadd.s32 $0xFFFFEE00  }
0x49: {  	[hbm4b:s11+s2] =	stream.linear.scatter [tilespmem:s25], [sflag:$0x2], $0x3200, $0x38;
	[tilespmem:$0x1F400] =	vst v63  }
0x4a: {  	s14 =	simm.s32 $0x5F8;
	s20 =	simm.s32 $0x1E200;
	s4 =	sshra.s32 s4, $0x18  }
0x4b: {  	[tilespmem:s24], [sflag:$0x1] =	stream.indirect.gather [hbm4b:s3+s16], $0x40, s12, s16, $0xb8;
	[tilespmem:$0x1F400] =	vst v63  }
0x4c: {  	s22 =	simm.s32 $0x9;
	s4 =	smul.u32 $0xC800, s4;
	s7 =	simm.s32 $0xA  }
0x4d: {  	[tilespmem:s20], [sflag:$0x1] =	stream.indirect.gather [hbm4b:s3+s18], $0x40, s14, s18, $0xb8;
	[tilespmem:$0x1F400] =	vst v63  }
0x4e: {  	s8 =	simm.s32 $0x8;
	s4 =	sshra.s32 s4, $0x2;
	_ =	swait.ge [sflag:s23], $0x2000  }
0x4f: {  	s6 =	sadd.s32 $0x6400, s4;
	s4 =	simm.s32 $0x4;
	[sflag:s23] =	ssyncset.done $0x0  }
0x50: {  	s9 =	simm.s32 $0x0;
	s20 =	simm.s32 $0x708;
	[sflag:s23] =	ssyncadd.s32 $0xFFFFE000  }
0x51: {  	s14 =	sand.u32 $0x7, s8;
	s8 =	sand.u32 $0x7, s9;
	_ =	swait.ge [sflag:s23], $0x1200  }
0x52: {  	s9 =	smul.u32 $0xC800, s14;
	s14 =	smov.u32 s28;
	[sflag:s23] =	ssyncset.done $0x0  }
.LBB2_2:
0x53: {  	s8 =	sadd.s32 s8, s4;
	[sflag:s23] =	ssyncadd.s32 $0xFFFFEE00  }
0x54: {  	s10 =	smov.u32 s22;
	s22 =	smov.u32 s7;
	s11 =	sadd.s32 $0x1, s7  }
0x55: {  	s12 =	sadd.s32 $0x80, s29;
	s8 =	sand.u32 $0xF8, s8;
	s9 =	sshrl.u32 s9, $0x2  }
0x56: {  	[hbm4b:s14+s2] =	stream.linear.scatter [tilespmem:s6], [sflag:$0x2], $0x3200, $0x38;
	[tilespmem:$0x1F400] =	vst v63  }
0x57: {  	p0 =	sne.s32 s7, $0x7F;
	s4 =	ssub.s32 s4, s8  }
0x58: {  	s4 =	sshll.u32 s4, $0x18;
	_ =	swait.ge [sflag:s31], $0x3200  }
0x59: {  	s6 =	sadd.s32 $0x6400, s9;
	s4 =	sshra.s32 s4, $0x18;
	[sflag:s31] =	ssyncset.done $0x0  }
0x5a: {  	s14 =	sadd.s32 $0x640, s14;
	s4 =	smul.u32 $0xC800, s4;
	[sflag:s31] =	ssyncadd.s32 $0xFFFFCE00  }
0x5b: {  	[tilespmem:s6], [sflag:$0x1] =	stream.indirect.gather [hbm4b:s3+s16], $0x40, s29, s16, $0xb8;
	[tilespmem:$0x1F400] =	vst v63  }
0x5c: {  	s4 =	sshra.s32 s4, $0x2;
	s6 =	sadd.s32 $0x8400, s9;
	s29 =	smov.u32 s20  }
0x5d: {  	[tilespmem:s6], [sflag:$0x1] =	stream.indirect.gather [hbm4b:s3+s18], $0x40, s12, s18, $0xb8;
	[tilespmem:$0x1F400] =	vst v63  }
.Ltmp0:
0x5e: {  	s6 =	sadd.s32 $0x6400, s4;
	_ =	swait.ge [sflag:s23], $0x2000;
	(pc) =	sbr.rel @p0 .LBB2_2-.Ltmp0, $4  }
0x5f: {  	s20 =	sadd.s32 $0xC8, s20;
	s4 =	sadd.s32 $0xFFFFFFFB, s22;
	[sflag:s23] =	ssyncset.done $0x0  }
0x60: {  	s9 =	sand.u32 $0x7, s10;
	s7 =	sshll.u32 s4, $0x18;
	[sflag:s23] =	ssyncadd.s32 $0xFFFFE000  }
0x61: {  	s9 =	smul.u32 $0xC800, s9;
	s7 =	sshra.s32 s7, $0x1F;
	_ =	swait.ge [sflag:s23], $0x1200  }
0x62: {  	s8 =	sand.u32 $0x7, s7;
	s7 =	smov.u32 s11;
	[sflag:s23] =	ssyncset.done $0x0  }
0x63: {  	[sflag:s23] =	ssyncadd.s32 $0xFFFFEE00  }
0x64: {  	[hbm4b:s14+s2] =	stream.linear.scatter [tilespmem:s6], [sflag:$0x2], $0x3200, $0x38;
	[tilespmem:$0x1F400] =	vst v63  }
0x65: {  	_ =	swait.ge [sflag:s31], $0x3200  }
0x66: {  	s11 =	sshrl.u32 s9, $0x2;
	[sflag:s31] =	ssyncset.done $0x0  }
0x67: {  	s7 =	sadd.s32 $0x6400, s11;
	[sflag:s31] =	ssyncadd.s32 $0xFFFFCE00  }
0x68: {  	[tilespmem:s7], [sflag:$0x1] =	stream.indirect.gather [hbm4b:s3+s16], $0x40, s29, s16, $0xb8;
	[tilespmem:$0x1F400] =	vst v63  }
0x69: {  	s12 =	sadd.s32 $0x80, s29;
	s6 =	sadd.s32 $0x8400, s11;
	s29 =	sadd.s32 s8, s4  }
0x6a: {  	[tilespmem:s6], [sflag:$0x1] =	stream.indirect.gather [hbm4b:s3+s18], $0x40, s12, s18, $0xb8;
	[tilespmem:$0x1F400] =	vst v63  }
0x6b: {  	s6 =	sand.u32 $0xF8, s29  }
0x6c: {  	s7 =	ssub.s32 s4, s6  }
0x6d: {  	_ =	swait.ge [sflag:s23], $0x2000;
	s4 =	sshll.u32 s7, $0x18  }
0x6e: {  	[sflag:s23] =	ssyncset.done $0x0;
	s4 =	sshra.s32 s4, $0x18  }
0x6f: {  	[sflag:s23] =	ssyncadd.s32 $0xFFFFE000;
	s4 =	smul.u32 $0xC800, s4  }
0x70: {  	_ =	swait.ge [sflag:s23], $0x1200  }
0x71: {  	s9 =	sand.u32 $0x7, s22;
	[sflag:s23] =	ssyncset.done $0x0;
	s4 =	sshra.s32 s4, $0x2  }
0x72: {  	s8 =	sadd.s32 $0x640, s14;
	[sflag:s23] =	ssyncadd.s32 $0xFFFFEE00;
	s4 =	sadd.s32 $0x6400, s4  }
0x73: {  	[hbm4b:s8+s2] =	stream.linear.scatter [tilespmem:s4], [sflag:$0x2], $0x3200, $0x38;
	[tilespmem:$0x1F400] =	vst v63  }
0x74: {  	s4 =	smul.u32 $0xC800, s9  }
0x75: {  	_ =	swait.ge [sflag:s31], $0x3200  }
0x76: {  	s4 =	sshrl.u32 s4, $0x2;
	[sflag:s31] =	ssyncset.done $0x0  }
0x77: {  	[sflag:s31] =	ssyncadd.s32 $0xFFFFCE00;
	s10 =	sadd.s32 $0x6400, s4  }
0x78: {  	[tilespmem:s10], [sflag:$0x1] =	stream.indirect.gather [hbm4b:s3+s16], $0x40, s20, s16, $0xb8;
	[tilespmem:$0x1F400] =	vst v63  }
0x79: {  	s11 =	sadd.s32 $0x80, s20;
	s4 =	sadd.s32 $0x8400, s4  }
0x7a: {  	[tilespmem:s4], [sflag:$0x1] =	stream.indirect.gather [hbm4b:s3+s18], $0x40, s11, s18, $0xb8;
	[tilespmem:$0x1F400] =	vst v63  }
0x7b: {  	_ =	swait.ge [sflag:s23], $0x2000  }
0x7c: {  	[sflag:s23] =	ssyncset.done $0x0  }
0x7d: {  	[sflag:s23] =	ssyncadd.s32 $0xFFFFE000  }
0x7e: {  	_ =	swait.ge [sflag:s23], $0x1200  }
0x7f: {  	[sflag:s23] =	ssyncset.done $0x0  }
0x80: {  	s12 =	rddreg [dreg:$0x6];
	[sflag:s23] =	ssyncadd.s32 $0xFFFFEE00  }
0x81: {  	[hbm4b:s12+s2] =	stream.linear.scatter [tilespmem:s30], [sflag:$0x2], $0x3200, $0x38;
	[tilespmem:$0x1F400] =	vst v63  }
0x82: {  	_ =	swait.ge [sflag:s23], $0x2000  }
0x83: {  	[sflag:s23] =	ssyncset.done $0x0  }
0x84: {  	[sflag:s23] =	ssyncadd.s32 $0xFFFFE000  }
0x85: {  	_ =	swait.ge [sflag:s23], $0x1200  }
0x86: {  	[sflag:s23] =	ssyncset.done $0x0  }
0x87: {  	s14 =	rddreg [dreg:$0x7];
	[sflag:s23] =	ssyncadd.s32 $0xFFFFEE00  }
0x88: {  	[hbm4b:s14+s2] =	stream.linear.scatter [tilespmem:s19], [sflag:$0x2], $0x3200, $0x38;
	[tilespmem:$0x1F400] =	vst v63  }
0x89: {  	_ =	swait.ge [sflag:s23], $0x2000  }
0x8a: {  	[sflag:s23] =	ssyncset.done $0x0  }
0x8b: {  	[sflag:s23] =	ssyncadd.s32 $0xFFFFE000  }
0x8c: {  	_ =	swait.ge [sflag:s23], $0x1200  }
0x8d: {  	[sflag:s23] =	ssyncset.done $0x0  }
0x8e: {  	s20 =	rddreg [dreg:$0x8];
	[sflag:s23] =	ssyncadd.s32 $0xFFFFEE00  }
0x8f: {  	[hbm4b:s20+s2] =	stream.linear.scatter [tilespmem:s26], [sflag:$0x2], $0x3200, $0x38;
	[tilespmem:$0x1F400] =	vst v63  }
0x90: {  	_ =	swait.ge [sflag:s23], $0x2000  }
0x91: {  	[sflag:s23] =	ssyncset.done $0x0  }
0x92: {  	[sflag:s23] =	ssyncadd.s32 $0xFFFFE000  }
0x93: {  	_ =	swait.ge [sflag:s23], $0x1200  }
0x94: {  	[sflag:s23] =	ssyncset.done $0x0  }
0x95: {  	s22 =	rddreg [dreg:$0x9];
	[sflag:s23] =	ssyncadd.s32 $0xFFFFEE00  }
0x96: {  	[hbm4b:s22+s2] =	stream.linear.scatter [tilespmem:s1], [sflag:$0x2], $0x3200, $0x38;
	[tilespmem:$0x1F400] =	vst v63  }
0x97: {  	_ =	swait.ge [sflag:s23], $0x2000  }
0x98: {  	[sflag:s23] =	ssyncset.done $0x0  }
0x99: {  	[sflag:s23] =	ssyncadd.s32 $0xFFFFE000  }
0x9a: {  	_ =	swait.ge [sflag:s23], $0x1200  }
0x9b: {  	[sflag:s23] =	ssyncset.done $0x0  }
0x9c: {  	s29 =	rddreg [dreg:$0xa];
	[sflag:s23] =	ssyncadd.s32 $0xFFFFEE00  }
0x9d: {  	[hbm4b:s29+s2] =	stream.linear.scatter [tilespmem:s24], [sflag:$0x2], $0x3200, $0x38;
	[tilespmem:$0x1F400] =	vst v63  }
0x9e: {  	_ =	swait.ge [sflag:s31], $0x3200  }
0x9f: {  	[sflag:s31] =	ssyncset.done $0x0  }
0xa0: {  	[sflag:s31] =	ssyncadd.s32 $0xFFFFCE00  }
0xa1: {  	_ =	swait.ge [sflag:s31], $0x3200  }
0xa2: {  	[sflag:s31] =	ssyncset.done $0x0  }
0xa3: {  	[sflag:s31] =	ssyncadd.s32 $0xFFFFCE00  }
0xa4: {  	_ =	swait.ge [sflag:s31], $0x3200  }
0xa5: {  	[sflag:s31] =	ssyncset.done $0x0  }
0xa6: {  	[sflag:s31] =	ssyncadd.s32 $0xFFFFCE00  }
0xa7: {  	_ =	swait.ge [sflag:s31], $0x3200  }
0xa8: {  	[sflag:s31] =	ssyncset.done $0x0  }
0xa9: {  	[sflag:s31] =	ssyncadd.s32 $0xFFFFCE00  }
0xaa: {  	_ =	swait.ge [sflag:s31], $0x3200  }
0xab: {  	[sflag:s31] =	ssyncset.done $0x0  }
0xac: {  	[sflag:s31] =	ssyncadd.s32 $0xFFFFCE00  }
0xad: {  	_ =	swait.ge [sflag:s31], $0x3200  }
0xae: {  	[sflag:s31] =	ssyncset.done $0x0  }
0xaf: {  	s0 =	sadd.s32 $0x1, s0;
	[sflag:s31] =	ssyncadd.s32 $0xFFFFCE00  }
0xb0: {  	p0 =	sne.s32 s0, s13;
	_ =	swait.ge [sflag:s31], $0x3200  }
.Ltmp1:
0xb1: {  	[sflag:s31] =	ssyncset.done $0x0;
	(pc) =	sbr.rel @p0 .LBB2_1-.Ltmp1, $4  }
0xb2: {  	[sflag:s31] =	ssyncadd.s32 $0xFFFFCE00  }
0xb3: {  	_ =	swait.ge [sflag:s31], $0x3200  }
0xb4: {  	[sflag:s31] =	ssyncset.done $0x0  }
0xb5: {  	[sflag:s31] =	ssyncadd.s32 $0xFFFFCE00  }
0xb6: {  	_ =	sfence.sel $0x180000  }
0xb7: {  	[bflag:$0x0] =	sbarrier.arrive $0xFFFF  }
0xb8: {  	_ =	strace $0x90000047  }
0xb9: {  	s0 =	stileid.u32;
	[bflag:$0x2] =	sbarrier.arrive $0xFFFF  }
0xba: {  	p0 =	sne.s32 s0, $0x0;
	s0 =	rddreg [dreg:$0x2]  }
0xbb: {  	s0 =	sadd.s32 @!p0 $0x100000, s0  }
0xbc: {  	[sflag:s0] =	ssyncadd.tile.s32 @!p0 $0x1;
	_ =	shalt  }
.Lfunc_end2:
_tile_overlayer_lowered:
.L_overlay_start_2:
0xbd: {  	(tag) =	ssettag $0x2  }
0xbe: {  	s0 =	rddreg [dreg:$0x0];
	s2 =	stileid.u32  }
0xbf: {  	s1 =	rddreg [dreg:$0x1];
	p0 =	sne.s32 s2, $0x0  }
0xc0: {  	s3 =	rddreg [dreg:$0x2];
	[bflag:$0x3] =	sbarrier.arrive $0xFFFF;
	s2 =	simm.s32 @!p0 $0x1C03  }
0xc1: {  	[timem:s3], [sflag:s2] =	dma.local @!p0 [hbm:s0], s1  }
0xc2: {  	s0 =	simm.s32 @!p0 $0x3  }
0xc3: {  	_ =	swait.ge @!p0 [sflag:s0], s1  }
0xc4: {  	s1 =	ssub.s32 @!p0 $0x0, s1;
	[sflag:s0] =	ssyncset.done @!p0 $0x0  }
0xc5: {  	[sflag:s0] =	ssyncadd.s32 @!p0 s1  }
0xc6: {  	[bflag:$0x3] =	sbarrier.arrive $0xFFFF  }
0xc7: {  	_ =	shalt  }

// kernel: sparse-core-data-format-call.cloned.1.call-start
scs
called_computation_lowered:
.L_overlay_start_0:
0x0: {  	s2 =	sld [smem:$0x3FD9]  }
0x1: {  	s3 =	sld [smem:$0x3FFE];
	_ =	sdelay $0x1  }
0x2: {  	s1 =	srdreg.scid  }
0x3: {  	s0 =	sand.u32 $0x1, s1  }
0x4: {  	s18 =	sshll.u32 s0, $0xA;
	s2 =	sadd.s32 s3, s2  }
0x5: {  	s2 =	sadd.s32 s2, s18  }
0x6: {  	[smem:$0x3FC6] =	sst s2  }
0x7: {  	_ = 	snop  }
0x8: {  	s2 =	sld [smem:$0x3FD0];
	(tm) =	ssettm $0x1  }
0x9: {  	s19 =	sld [smem:$0x3FFB];
	_ =	sdelay $0x3  }
0xa: {  	_ =	strace s19  }
0xb: {  	s3 =	sld [smem:$0x3FFC];
	_ =	sdelay $0x3  }
0xc: {  	_ =	strace s3  }
0xd: {  	s3 =	sld [smem:$0x3FFD];
	_ =	sdelay $0x3  }
0xe: {  	_ =	strace s3  }
0xf: {  	_ =	strace $0x8FFFFFFF  }
0x10: {  	s20 =	sld [smem:$0x3FDB];
	_ =	sdelay $0x1  }
0x11: {  	s4 =	simm.s32 $_scs_section_size  }
0x12: {  	s5 =	simm.s32 $_size__tile_overlayer_lowered;
	s6 =	simm.s32 $_tile_overlayer_lowered  }
0x13: {  	s23 =	simm.s32 $0x1BFF;
	s22 =	sshll.u32 s6, $0x1;
	s3 =	sadd.s32 s4, s20  }
0x14: {  	s7 =	simm.s32 $0x0;
	s21 =	sshll.u32 s5, $0x1;
	s5 =	sadd.s32 s22, s3  }
0x15: {  	[timem:s7], [sflag:s23] =	dma.local [hbm:s5], s21  }
0x16: {  	_ =	swait.ge [sflag:s23], s21  }
0x17: {  	s4 =	ssub.s32 $0x0, s21;
	[sflag:s23] =	ssyncset.done $0x0  }
0x18: {  	[sflag:s23] =	ssyncadd.s32 s4;
	_ =	sdelay $0x1  }
0x19: {  	s24 =	simm.s32 $0x1B8B  }
0x1a: {  	_ =	swait.ge [sflag:s24], $0x1  }
0x1b: {  	[sflag:s24] =	ssyncset.done $0x0  }
0x1c: {  	s26 =	simm.s32 $0x1B8E;
	s25 =	sld [smem:$0x3FFE];
	[sflag:s24] =	ssyncadd.s32 $0xFFFFFFFF  }
0x1d: {  	s27 =	simm.s32 $execute0_lowered;
	[smem:$0x3FD2] =	sst s26  }
0x1e: {  	s5 =	sshll.u32 s27, $0x1;
	_ =	strace $0x80000049;
	[dreg:$0x1] =	wrdreg $0xFFFFFFFF  }
0x1f: {  	s28 =	simm.s32 $_size_execute0_lowered;
	s3 =	sadd.s32 s3, s5;
	[dreg:$0x0] =	wrdreg $0x0  }
0x20: {  	s5 =	sshll.u32 s28, $0x1;
	[dreg:$0x2] =	wrdreg s3  }
0x21: {  	[dreg:$0x3] =	wrdreg s5  }
0x22: {  	[dreg:$0x4] =	wrdreg $0xC0  }
0x23: {  	_ =	task [dreg:s7], $0x5FFFF  }
0x24: {  	[dreg:$0x1] =	wrdreg $0xFFFFFFFF  }
0x25: {  	[dreg:$0x0] =	wrdreg $0x60  }
0x26: {  	[dreg:$0x2] =	wrdreg s25  }
0x27: {  	[dreg:$0x3] =	wrdreg s2  }
0x28: {  	[dreg:$0x4] =	wrdreg $0x9  }
0x29: {  	_ =	task.clear_ibuf [dreg:s7], $0x5FFFF;
	_ =	strace $0x90000049  }
0x2a: {  	s29 =	simm.s32 $0x9;
	_ =	strace $0x8000004B  }
0x2b: {  	_ =	swait.ge [sflag:s29], $0x1  }
0x2c: {  	[sflag:s29] =	ssyncadd.s32 $0xFFFFFFFF  }
0x2d: {  	_ =	strace $0x9000004B  }
0x2e: {  	_ =	sfence  }
0x2f: {  	s30 =	sld [smem:$0x0];
	_ =	sdelay $0x2  }
0x30: {  	s31 =	sshll.u32 s1, $0xD;
	s1 =	sshrl.u32 s1, $0x2  }
0x31: {  	s3 =	sand.u32 $0x4000, s31;
	s1 =	sadd.s32 s1, s30  }
0x32: {  	s0 =	sor.u32 s3, s0;
	s1 =	sshll.u32 s1, $0x11  }
0x33: {  	s0 =	sor.u32 s1, s0  }
0x34: {  	s0 =	sadd.s32 $0x8F2B, s0  }
0x35: {  	[sflag:s0] =	ssyncadd.remote.s32 $0x1  }
0x36: {  	_ =	sfence.sel $0xFFFF  }
0x37: {  	[dreg:$0x0] =	wrdreg $0xFFFFFFFF;
	(pc) =	sbr.abs _section_cstart, $3  }
0x38: {  	[dreg:$0x1] =	wrdreg $0xFFFFFFFF  }
0x39: {  	_ =	task.clear_ibuf [dreg:s7], $0x2FFFF;
	_ =	strace $0x9FFFFFFF  }
0x3a: {  	(tm) =	ssettm $0x7FFFFFFF  }
0x3b: {  	_ =	shalt  }
tec
execute0_lowered:
.L_overlay_start_1:
0x0: {  	(tag) =	ssettag $0x1  }
0x1: {  	s0 =	srdreg.scid  }
0x2: {  	s1 =	sshll.u32 s0, $0x4  }
0x3: {  	s0 =	stileid.u32;
	s1 =	sand.u32 $0x10, s1  }
0x4: {  	s1 =	sor.u32 s0, s1  }
0x5: {  	s6 =	rddreg [dreg:$0x0];
	s4 =	simm.s32 $0x1;
	s2 =	sshll.u32 s1, $0x7  }
0x6: {  	s7 =	simm.s32 $0x2;
	s12 =	simm.s32 $0x0;
	s1 =	ssub.s32 $0x1000, s2  }
0x7: {  	s8 =	simm.s32 $0x8000;
	s13 =	simm.s32 $0x0;
	s3 =	sand.u32 $0xF80, s1  }
0x8: {  	s9 =	simm.s32 $0x0;
	s5 =	sshrl.u32 s1, $0xC;
	p0 =	sne.s32 s3, $0x0  }
.Ltmp0:
0x9: {  	s1 =	rddreg [dreg:$0x2];
	s4 =	simm.s32 @!p0 $0x0;
	(pc) =	sbr.rel .LBB1_1-.Ltmp0, $4  }
0xa: {  	s11 =	simm.s32 $0x0;
	s3 =	rddreg [dreg:$0x1];
	s5 =	sadd.s32 s4, s5  }
0xb: {  	_ =	strace $0x8000004A;
	s4 =	simm.s32 $0x1;
	s5 =	smul.u32 $0xC8, s5  }
0xc: {  	s6 =	sadd.s32 $0xA00, s6;
	s10 =	smov.u32 s2;
	[sflag:s4] =	ssyncpa.u1 $0x0  }
0xd: {  	p0 =	por $0x0, $0x0;
	[sflag:s7] =	ssyncpa.u1 $0x0;
	s7 =	sor.u32 $0x1, s5  }
.LBB1_4:
0xe: {  	s16 =	sshll.u32 s13, $0x3;
	s17 =	sand.u32 $0x78, s13  }
0xf: {  	s30 =	sand.u32 $0x7E00, s13;
	s12 =	sshll.u32 s12, $0xF;
	s16 =	sand.u32 $0xC00, s16  }
0x10: {  	[tilespmem:s15+$0x810 ss:$0x81] =	vst.msk $0xffff, v2;
	s31 =	sand.u32 $0x7, s13;
	s16 =	sor.u32 s17, s16;
	s17 =	sadd.s32 s3, s30  }
0x11: {  	[tilespmem:s15+$0x1020 ss:$0x81] =	vst.msk $0xffff, v0;
	s13 =	sshll.u32 s31, $0x12;
	s12 =	sadd.s32 s12, s17;
	s16 =	sshrl.u32 s16, $0x3  }
0x12: {  	[tilespmem:s15+$0x0 ss:$0x81] =	vst.msk $0xffff, v1;
	s13 =	sor.u32 $0x400, s13;
	s12 =	sadd.s32 s16, s12  }
0x13: {  	[hbm4b:s12+s13] =	stream.strided.scatter [tilespmem:s14], [sflag:$0x2], $0x2000, s8, s13, $0x20;
	[tilespmem:$0x8080] =	vst v63  }
.LBB1_5:
0x14: {  	s14 =	sadd.s32 $0x1, s9  }
0x15: {  	s12 =	sadd.s32 $0x1000, s10;
	s16 =	smov.u32 s10;
	p2 =	sgt.s32 s14, $0xC7  }
0x16: {  	s16 =	smov.u32 @p2 s12  }
0x17: {  	s14 =	simm.s32 @p2 $0x0;
	p2 =	sgt.s32 s16, $0xFFF  }
0x18: {  	s16 =	smov.u32 @p2 s2;
	p2 =	sne.s32 s11, s7  }
.Ltmp1:
0x19: {  	p1 =	slt.u32 s11, $0x2;
	(pc) =	sbr.rel @!p2 .LBB1_6-.Ltmp1, $4  }
0x1a: {  	s15 =	simm.s32 @!p1 $0x2  }
0x1b: {  	s13 =	smov.u32 s10;
	p0 =	por !p0, !p0;
	_ =	swait.ge @!p1 [sflag:s15], $0x2000  }
0x1c: {  	s12 =	smov.u32 s9;
	[sflag:s15] =	ssyncset.done @!p1 $0x0;
	s9 =	smov.u32 s14  }
0x1d: {  	s11 =	sadd.s32 $0x1, s11;
	[sflag:s15] =	ssyncadd.s32 @!p1 $0xFFFFE000;
	s10 =	smov.u32 s16  }
.LBB1_1:
0x1e: {  	p1 =	sge.u32 s11, s5  }
0x1f: {  	s14 =	sand.u32 @!p1 $0x1FFFFFF, s9  }
0x20: {  	s15 =	smulhi.u32 @!p1 $0x147AE15, s14;
	_ =	sdelay $0x1  }
0x21: {  	s15 =	smul.u32 @!p1 $0xC8, s15  }
0x22: {  	s16 =	sxor.u32 @!p1 $0xFFFFFFFF, s11;
	s17 =	smul.u32 @!p1 $0xC80, s10  }
0x23: {  	s31 =	sadd.s32 $0xFFFFFFFF, s11;
	s16 =	sshll.u32 @!p1 s16, $0xD;
	s14 =	ssub.s32 @!p1 s14, s15  }
0x24: {  	s15 =	sand.u32 @!p1 $0x2000, s16;
	s16 =	sadd.s32 @!p1 s6, s17;
	s14 =	sshll.u32 @!p1 s14, $0x4  }
0x25: {  	s17 =	simm.s32 @!p1 $0x6400;
	s14 =	sadd.s32 @!p1 s14, s16;
	s16 =	simm.s32 @!p1 $0x40  }
0x26: {  	[tilespmem:s15], [sflag:$0x1] =	stream.strided.gather @!p1 [hbm4b:s14+s16], $0x2000, s17, s16, $0x38;
	[tilespmem:$0x8080] =	vst v63  }
0x27: {  	p1 =	sge.u32 s31, s5  }
.Ltmp2:
0x28: {  	_ = 	snop;
	(pc) =	sbr.rel @p1 .LBB1_5-.Ltmp2, $1  }
0x29: {  	_ =	sdelay $0x3  }
0x2a: {  	s14 =	simm.s32 $0x1  }
0x2b: {  	_ =	swait.ge [sflag:s4], $0x2000;
	s14 =	simm.s32 @!p0 $0x0  }
0x2c: {  	[sflag:s4] =	ssyncset.done $0x0;
	s15 =	sshll.u32 s14, $0xD  }
0x2d: {  	[sflag:s4] =	ssyncadd.s32 $0xFFFFE000;
	s18 =	sor.u32 $0x20, s15  }
0x2e: {  	s14 =	smul.u32 $0x8100, s14;
	v3 =	vld [tilespmem:s18+$0x10]  }
0x2f: {  	s30 =	sand.u32 $0x1, s11;
	v2 =	vld [tilespmem:s18+$0xFFFFFFF0]  }
0x30: {  	s15 =	smul.u32 $0x8100, s30;
	s14 =	sshrl.u32 s14, $0x2;
	v0 =	vld [tilespmem:s18+$0x0]  }
0x31: {  	v1 =	vld [tilespmem:s18+$0xFFFFFFE0];
	s16 =	sor.u32 $0x4000, s14  }
0x32: {  	s31 =	sshrl.u32 s15, $0x2;
	s15 =	sadd.s32 $0x0, s16  }
0x33: {  	s17 =	simm.s32 $0x4;
	s18 =	sadd.s32 $0x40, s18;
	s14 =	sor.u32 $0x4000, s31;
	[tilespmem:s15+$0x1830 ss:$0x81] =	vst.msk $0xffff, v3  }
.LBB1_3:
0x34: {  	v3 =	vld [tilespmem:s18+$0x10];
	p1 =	sne.s32 s17, $0x1FC;
	[tilespmem:s15+$0x810 ss:$0x81] =	vst.msk $0xffff, v2;
	s19 =	smov.u32 s17;
	s17 =	sadd.s32 $0x4, s17  }
.Ltmp3:
0x35: {  	v2 =	vld [tilespmem:s18+$0xFFFFFFF0];
	[tilespmem:s15+$0x1020 ss:$0x81] =	vst.msk $0xffff, v0;
	(pc) =	sbr.rel @p1 .LBB1_3-.Ltmp3, $4  }
0x36: {  	v0 =	vld [tilespmem:s18+$0x0];
	[tilespmem:s15+$0x0 ss:$0x81] =	vst.msk $0xffff, v1  }
0x37: {  	s15 =	sshra.s32 s19, $0x2;
	v1 =	vld [tilespmem:s18+$0xFFFFFFE0]  }
0x38: {  	s15 =	sadd.s32 s15, s16  }
0x39: {  	s18 =	sadd.s32 $0x40, s18;
	[tilespmem:s15+$0x1830 ss:$0x81] =	vst.msk $0xffff, v3  }
.Ltmp4:
0x3a: {  	_ = 	snop;
	(pc) =	sbr.rel .LBB1_4-.Ltmp4, $1  }
0x3b: {  	_ =	sdelay $0x3  }
.LBB1_6:
0x3c: {  	_ =	sfence.sel $0x180000  }
0x3d: {  	s2 =	simm.s32 $0x1;
	[bflag:$0x0] =	sbarrier.arrive $0xFFFF  }
0x3e: {  	s31 =	simm.s32 $0x2;
	[sflag:s2] =	ssyncpa.u1 $0x1  }
0x3f: {  	[sflag:s31] =	ssyncpa.u1 $0x1  }
0x40: {  	p0 =	sne.s32 s0, $0x0;
	_ =	strace $0x9000004A  }
0x41: {  	s0 =	sadd.s32 @!p0 $0x100000, s1;
	[bflag:$0x2] =	sbarrier.arrive $0xFFFF  }
0x42: {  	[sflag:s0] =	ssyncadd.tile.s32 @!p0 $0x1;
	_ =	shalt  }
.Lfunc_end1:
_tile_overlayer_lowered:
.L_overlay_start_2:
0x43: {  	(tag) =	ssettag $0x2  }
0x44: {  	s0 =	rddreg [dreg:$0x0];
	s2 =	stileid.u32  }
0x45: {  	s1 =	rddreg [dreg:$0x1];
	p0 =	sne.s32 s2, $0x0  }
0x46: {  	s3 =	rddreg [dreg:$0x2];
	[bflag:$0x3] =	sbarrier.arrive $0xFFFF;
	s2 =	simm.s32 @!p0 $0x1C01  }
0x47: {  	[timem:s3], [sflag:s2] =	dma.local @!p0 [hbm:s0], s1  }
0x48: {  	s0 =	simm.s32 @!p0 $0x1  }
0x49: {  	_ =	swait.ge @!p0 [sflag:s0], s1  }
0x4a: {  	s1 =	ssub.s32 @!p0 $0x0, s1;
	[sflag:s0] =	ssyncset.done @!p0 $0x0  }
0x4b: {  	[sflag:s0] =	ssyncadd.s32 @!p0 s1  }
0x4c: {  	[bflag:$0x3] =	sbarrier.arrive $0xFFFF  }
0x4d: {  	_ =	shalt  }

</sc_bundles>
